<compile_context>
chip_gen: v7x
topology: tpu7x:2x2x1
jax: 0.10.2.dev20260603
libtpu: 0.0.44.dev20260713+nightly
codegen_flags: <defaults>
</compile_context>

<pallas_src>
import functools

import jax
import jax.numpy as jnp
from jax import lax
from jax.experimental import pallas as pl
from jax.experimental.pallas import tpu as pltpu
from jax.experimental.pallas import tpu_sc as plsc

_N = 10000
_E = 160000
_DOUT = 512
_NSUB = 16
_NCORE = 2
_NQ = 4
_DQ = 64
_B = 125
_NB = _E // (_NSUB * _B)
_DEPTH = 4
_RPT = 624
_RPT_LAST = _N - (_NSUB - 1) * _RPT
_ZROWS = 208


@functools.cache
def _sc_agg_build():
    mesh = plsc.VectorSubcoreMesh(core_axis_name="c", subcore_axis_name="s",
                                  num_cores=_NCORE, num_subcores=_NSUB)

    @functools.partial(
        pl.kernel,
        out_type=jax.ShapeDtypeStruct((_NQ * _N, _DQ), jnp.float32),
        mesh=mesh,
        scratch_types=[
            pltpu.VMEM((_NB, _B), jnp.int32),
            pltpu.VMEM((_NB, _B), jnp.int32),
            pltpu.VMEM((_NB, _B), jnp.int32),
            pltpu.VMEM((_NB, _B), jnp.int32),
            [pltpu.VMEM((_B, _DQ), jnp.float32) for _ in range(_DEPTH)],
            pltpu.VMEM((_ZROWS, _DQ), jnp.float32),
            pltpu.VMEM_SHARED((_N, _DQ), jnp.float32),
            [pltpu.SemaphoreType.DMA for _ in range(_DEPTH)],
            [pltpu.SemaphoreType.DMA for _ in range(_DEPTH)],
            pltpu.SemaphoreType.DMA,
        ],
        compiler_params=pltpu.CompilerParams(use_tc_tiling_on_sc=False),
    )
    def sc_agg(xr, er, out, src_v, src0, src4, dst_v, rows, zb, acc,
               gsem, ssem, zsem):
        cid = lax.axis_index("c")
        sid = lax.axis_index("s")

        zeros16 = jnp.zeros((16,), jnp.float32)

        def _zrow(r, carry):
            for j in range(_DQ // 16):
                zb[r, pl.ds(j * 16, 16)] = zeros16
            return carry

        lax.fori_loop(0, _ZROWS, _zrow, 0)

        pltpu.sync_copy(er.at[0, sid], src_v)
        pltpu.sync_copy(er.at[1, sid], dst_v)

        def _fire_zeros():
            zcp = [pltpu.async_copy(
                zb, acc.at[pl.ds(sid * _RPT + i * _ZROWS, _ZROWS)], zsem)
                for i in range(_RPT // _ZROWS)]

            @pl.when(sid == _NSUB - 1)
            def _zero_tail():
                pltpu.async_copy(
                    zb.at[pl.ds(0, _RPT_LAST - _RPT)],
                    acc.at[pl.ds(_NSUB * _RPT, _RPT_LAST - _RPT)], zsem).wait()

            return zcp

        zcp = _fire_zeros()

        _SLICES = tuple(j * 16 for j in range(_B // 16)) + (_B - 16,)
        coff = cid * 2

        def _xform(r, carry):
            for o in _SLICES:
                v = src_v[r, pl.ds(o, 16)]
                src0[r, pl.ds(o, 16)] = v * 4 + coff
            return carry

        lax.fori_loop(0, _NB, _xform, 0)

        def _gather(ib, k, d):
            return pltpu.async_copy(xr.at[ib.at[k]], rows[d], gsem[d])

        def _scatter(k, d):
            return pltpu.async_copy(rows[d], acc.at[dst_v.at[k]], ssem[d],
                                    add=True)

        for p in range(_NQ // _NCORE):
            ib = src0 if p == 0 else src4
            qoff = _NCORE * cid + p

            if p > 0:
                zcp = _fire_zeros()

            for c in zcp:
                c.wait()

            plsc.subcore_barrier()

            for d in range(_DEPTH):
                _gather(ib, d, d)

            def _step(i, carry):
                k0 = _DEPTH * i
                for d in range(_DEPTH):
                    k = k0 + d
                    pltpu.make_async_copy(xr.at[ib.at[k]], rows[d],
                                          gsem[d]).wait()
                    _scatter(k, d)
                    dm = (d - 1) % _DEPTH
                    kc = k - 1
                    cond = (kc + _DEPTH < _NB) if d > 0 else (
                        jnp.logical_and(k0 > 0, k0 - 1 + _DEPTH < _NB))

                    @pl.when(cond)
                    def _():
                        pltpu.make_async_copy(
                            rows[dm], acc.at[dst_v.at[kc]], ssem[dm]).wait()
                        _gather(ib, kc + _DEPTH, dm)
                if p == 0:
                    for jj in range(_DEPTH):
                        for o in _SLICES:
                            src4[k0 + jj, pl.ds(o, 16)] = (
                                src0[k0 + jj, pl.ds(o, 16)] + 1)
                return carry

            lax.fori_loop(0, _NB // _DEPTH, _step, 0)

            for d in range(_DEPTH):
                pltpu.make_async_copy(rows[d], acc.at[dst_v.at[_NB - 1]],
                                      ssem[d]).wait()

            plsc.subcore_barrier()

            @pl.when(sid < _NSUB - 1)
            def _drain():
                pltpu.sync_copy(
                    acc.at[pl.ds(sid * _RPT, _RPT)],
                    out.at[pl.ds(qoff * _N + sid * _RPT, _RPT)])

            @pl.when(sid == _NSUB - 1)
            def _drain_last():
                base = (_NSUB - 1) * _RPT
                pltpu.sync_copy(
                    acc.at[pl.ds(base, _RPT_LAST)],
                    out.at[pl.ds(qoff * _N + base, _RPT_LAST)])

    return sc_agg


def _mm_body(a0, a1, a2, a3, w, o):
    a = jnp.concatenate([a0[...], a1[...], a2[...], a3[...]], axis=1)
    o[...] = jnp.dot(a, w[...], preferred_element_type=jnp.float32)


_MBLK = 5000
_MGRID = _N // _MBLK

_mm = pl.pallas_call(
    _mm_body,
    grid=(_MGRID,),
    in_specs=[
        pl.BlockSpec((_MBLK, _DQ), lambda i, q=q: (i + q * _MGRID, 0))
        for q in range(_NQ)
    ] + [pl.BlockSpec((_NQ * _DQ, _DOUT), lambda i: (0, 0))],
    out_specs=pl.BlockSpec((_MBLK, _DOUT), lambda i: (i, 0)),
    out_shape=jax.ShapeDtypeStruct((_N, _DOUT), jnp.float32),
)


def kernel(x, edge_index, W):
    xr = x.reshape(_N * _NQ, _DQ)
    er = edge_index.reshape(2, _NSUB, _NB, _B)
    agg4 = _sc_agg_build()(xr, er)
    return _mm(agg4, agg4, agg4, agg4, W)

# --- scband reference (transcript-rebuilt; emitter-appended) ---
"""Pipeline reference for scband-graph-convolution-66649302500004 (READ-ONLY COPY).

The authoritative reference and input builder live on the scoring server;
editing this copy changes nothing except your own understanding.
"""

import jax, jax.numpy as jnp
import numpy as np

N = 10000
E = 160000
D_IN = 256
D_OUT = 512


def setup_inputs(seed: int = 0) -> dict:
    key = jax.random.key(seed)
    k1, k2, k3 = jax.random.split(key, 3)
    x = jax.random.normal(k1, (N, D_IN), dtype=jnp.float32)
    edge_index = jax.random.randint(k2, (2, E), 0, N, dtype=jnp.int32)
    # kaiming_normal_ init for weight [input_dim, out_dim] (fan_in = input_dim)
    W = jax.random.normal(k3, (D_IN, D_OUT), dtype=jnp.float32) * np.sqrt(2.0 / D_IN)
    return {"x": x, "edge_index": edge_index, "W": W}


def reference(x, edge_index, W):
    # GraphConvolution forward (Kipf-style, sparse adj represented as edge_index):
    #   support = input @ weight          (dense matmul)
    #   output  = adj @ support           (gather from src + scatter-add to dst)
    support = jnp.dot(x, W)                       # [N, D_OUT]
    src = edge_index[0]
    dst = edge_index[1]
    msgs = jnp.take(support, src, axis=0)          # gather   [E, D_OUT]
    out = jax.ops.segment_sum(msgs, dst, num_segments=N)  # scatter-add [N, D_OUT]
    return out

if __name__ == "__main__":
    import jax
    _d = setup_inputs()
    print(jax.jit(kernel)(*tuple(_d.values())))

</pallas_src>

<mosaic_0001>
#map = affine_map<(d0, d1) -> (0, 0)>
#map1 = affine_map<(d0, d1) -> (0, 0, 0, 0)>
module attributes {stable_mosaic.version = 14 : i64} {
  func.func @sc_agg(%arg0: i32, %arg1: i32, %arg2: memref<40000x64xf32, #tpu.memory_space<hbm>>, %arg3: memref<2x16x80x125xi32, #tpu.memory_space<hbm>>, %arg4: memref<40000x64xf32, #tpu.memory_space<hbm>>, %arg5: memref<80x125xi32, #tpu.memory_space<vmem>>, %arg6: memref<80x125xi32, #tpu.memory_space<vmem>>, %arg7: memref<80x125xi32, #tpu.memory_space<vmem>>, %arg8: memref<80x125xi32, #tpu.memory_space<vmem>>, %arg9: memref<125x64xf32, #tpu.memory_space<vmem>>, %arg10: memref<125x64xf32, #tpu.memory_space<vmem>>, %arg11: memref<125x64xf32, #tpu.memory_space<vmem>>, %arg12: memref<125x64xf32, #tpu.memory_space<vmem>>, %arg13: memref<208x64xf32, #tpu.memory_space<vmem>>, %arg14: memref<10000x64xf32, #tpu.memory_space<vmem_shared>>, %arg15: memref<!tpu.dma_semaphore, #tpu.memory_space<semaphore_mem>>, %arg16: memref<!tpu.dma_semaphore, #tpu.memory_space<semaphore_mem>>, %arg17: memref<!tpu.dma_semaphore, #tpu.memory_space<semaphore_mem>>, %arg18: memref<!tpu.dma_semaphore, #tpu.memory_space<semaphore_mem>>, %arg19: memref<!tpu.dma_semaphore, #tpu.memory_space<semaphore_mem>>, %arg20: memref<!tpu.dma_semaphore, #tpu.memory_space<semaphore_mem>>, %arg21: memref<!tpu.dma_semaphore, #tpu.memory_space<semaphore_mem>>, %arg22: memref<!tpu.dma_semaphore, #tpu.memory_space<semaphore_mem>>, %arg23: memref<!tpu.dma_semaphore, #tpu.memory_space<semaphore_mem>>) attributes {dimension_semantics = [#tpu.dimension_semantics<core_parallel>, #tpu.dimension_semantics<subcore_parallel>], iteration_bounds = array<i64: 2, 16>, scalar_prefetch = 0 : i64, scratch_operands = 19 : i64, tpu.core_type = #tpu.core_type<sc_vector_subcore>, window_params = [{transform_indices = #map}, {transform_indices = #map1}, {transform_indices = #map}]} {
    %broadcast_in_dim3A = arith.constant 0.000000e+00 : f32
    %broadcast_in_dim3A_0 = vector.broadcast %broadcast_in_dim3A : f32 to vector<16xf32>
    %scan3A = arith.constant 0 : i32
    %scan3A_1 = arith.constant 0 : i32
    %scan3A_2 = arith.constant 208 : i32
    %scan3A_3 = arith.addi %scan3A_1, %scan3A_2 : i32
    %scan3A_4 = arith.constant 1 : i32
    scf.for %scan3A_244 = %scan3A_1 to %scan3A_3 step %scan3A_4  : i32 {
      %swap3A = arith.index_cast %scan3A_244 : i32 to index
      %swap3A_245 = arith.constant 0 : index
      %swap3A_246 = tpu.vector_load %arg13[%swap3A, %swap3A_245] {strides = array<i32>} : memref<208x64xf32, #tpu.memory_space<vmem>>, vector<1x16xf32>,
      %swap3A_247 = vector.shape_cast %swap3A_246 : vector<1x16xf32> to vector<16xf32>
      %swap3A_248 = vector.shape_cast %broadcast_in_dim3A_0 : vector<16xf32> to vector<1x16xf32>
      tpu.vector_store %arg13[%swap3A, %swap3A_245], %swap3A_248 {strides = array<i32>} : memref<208x64xf32, #tpu.memory_space<vmem>>, vector<1x16xf32>,
      %swap3A_249 = arith.index_cast %scan3A_244 : i32 to index
      %swap3A_250 = arith.constant 16 : index
      %swap3A_251 = tpu.vector_load %arg13[%swap3A_249, %swap3A_250] {strides = array<i32>} : memref<208x64xf32, #tpu.memory_space<vmem>>, vector<1x16xf32>,
      %swap3A_252 = vector.shape_cast %swap3A_251 : vector<1x16xf32> to vector<16xf32>
      %swap3A_253 = vector.shape_cast %broadcast_in_dim3A_0 : vector<16xf32> to vector<1x16xf32>
      tpu.vector_store %arg13[%swap3A_249, %swap3A_250], %swap3A_253 {strides = array<i32>} : memref<208x64xf32, #tpu.memory_space<vmem>>, vector<1x16xf32>,
      %swap3A_254 = arith.index_cast %scan3A_244 : i32 to index
      %swap3A_255 = arith.constant 32 : index
      %swap3A_256 = tpu.vector_load %arg13[%swap3A_254, %swap3A_255] {strides = array<i32>} : memref<208x64xf32, #tpu.memory_space<vmem>>, vector<1x16xf32>,
      %swap3A_257 = vector.shape_cast %swap3A_256 : vector<1x16xf32> to vector<16xf32>
      %swap3A_258 = vector.shape_cast %broadcast_in_dim3A_0 : vector<16xf32> to vector<1x16xf32>
      tpu.vector_store %arg13[%swap3A_254, %swap3A_255], %swap3A_258 {strides = array<i32>} : memref<208x64xf32, #tpu.memory_space<vmem>>, vector<1x16xf32>,
      %swap3A_259 = arith.index_cast %scan3A_244 : i32 to index
      %swap3A_260 = arith.constant 48 : index
      %swap3A_261 = tpu.vector_load %arg13[%swap3A_259, %swap3A_260] {strides = array<i32>} : memref<208x64xf32, #tpu.memory_space<vmem>>, vector<1x16xf32>,
      %swap3A_262 = vector.shape_cast %swap3A_261 : vector<1x16xf32> to vector<16xf32>
      %swap3A_263 = vector.shape_cast %broadcast_in_dim3A_0 : vector<16xf32> to vector<1x16xf32>
      tpu.vector_store %arg13[%swap3A_259, %swap3A_260], %swap3A_263 {strides = array<i32>} : memref<208x64xf32, #tpu.memory_space<vmem>>, vector<1x16xf32>,
    }
    %scan3A_5 = arith.constant 208 : i32
    %run_scoped3A = arith.constant 0 : i32
    "tpu.region"() ({
      %run_scoped3A_244 = tpu.sem_alloc : memref<!tpu.dma_semaphore, #tpu.memory_space<semaphore_mem>>
      %dma_start3A_245 = arith.constant 0 : i32
      %dma_start3A_246 = arith.constant 0 : i32
      %dma_start3A_247 = tpu.memref_slice %arg3[%run_scoped3A, %arg1, %dma_start3A_245, %dma_start3A_246] : memref<2x16x80x125xi32, #tpu.memory_space<hbm>> -> memref<1x1x80x125xi32, #tpu.memory_space<hbm>>
      %dma_start3A_248 = tpu.memref_squeeze %dma_start3A_247 : memref<1x1x80x125xi32, #tpu.memory_space<hbm>> -> memref<80x125xi32, #tpu.memory_space<hbm>>
      %dma_start3A_249 = arith.constant 0 : i32
      %dma_start3A_250 = arith.constant 0 : i32
      %dma_start3A_251 = tpu.memref_slice %arg3[%run_scoped3A, %arg1, %dma_start3A_249, %dma_start3A_250] : memref<2x16x80x125xi32, #tpu.memory_space<hbm>> -> memref<1x1x80x125xi32, #tpu.memory_space<hbm>>
      %dma_start3A_252 = tpu.memref_squeeze %dma_start3A_251 : memref<1x1x80x125xi32, #tpu.memory_space<hbm>> -> memref<80x125xi32, #tpu.memory_space<hbm>>
      tpu.enqueue_dma source(%dma_start3A_252 : memref<80x125xi32, #tpu.memory_space<hbm>>) target(%arg5 : memref<80x125xi32, #tpu.memory_space<vmem>>) target_semaphore(%run_scoped3A_244 : memref<!tpu.dma_semaphore, #tpu.memory_space<semaphore_mem>>)
      %dma_wait3A_253 = arith.constant 0 : i32
      %dma_wait3A_254 = arith.constant 0 : i32
      %dma_wait3A_255 = tpu.memref_slice %arg3[%run_scoped3A, %arg1, %dma_wait3A_253, %dma_wait3A_254] : memref<2x16x80x125xi32, #tpu.memory_space<hbm>> -> memref<1x1x80x125xi32, #tpu.memory_space<hbm>>
      %dma_wait3A_256 = tpu.memref_squeeze %dma_wait3A_255 : memref<1x1x80x125xi32, #tpu.memory_space<hbm>> -> memref<80x125xi32, #tpu.memory_space<hbm>>
      %dma_wait3A_257 = arith.constant 0 : i32
      %dma_wait3A_258 = arith.constant 0 : i32
      %dma_wait3A_259 = tpu.memref_slice %arg3[%run_scoped3A, %arg1, %dma_wait3A_257, %dma_wait3A_258] : memref<2x16x80x125xi32, #tpu.memory_space<hbm>> -> memref<1x1x80x125xi32, #tpu.memory_space<hbm>>
      %dma_wait3A_260 = tpu.memref_squeeze %dma_wait3A_259 : memref<1x1x80x125xi32, #tpu.memory_space<hbm>> -> memref<80x125xi32, #tpu.memory_space<hbm>>
      tpu.wait_dma2 semaphore(%run_scoped3A_244 : memref<!tpu.dma_semaphore, #tpu.memory_space<semaphore_mem>>) src(%dma_wait3A_260 : memref<80x125xi32, #tpu.memory_space<hbm>>) dst(%arg5 : memref<80x125xi32, #tpu.memory_space<vmem>>)
      tpu.yield
    }) : () -> ()
    %run_scoped3A_6 = arith.constant 1 : i32
    "tpu.region"() ({
      %run_scoped3A_244 = tpu.sem_alloc : memref<!tpu.dma_semaphore, #tpu.memory_space<semaphore_mem>>
      %dma_start3A_245 = arith.constant 0 : i32
      %dma_start3A_246 = arith.constant 0 : i32
      %dma_start3A_247 = tpu.memref_slice %arg3[%run_scoped3A_6, %arg1, %dma_start3A_245, %dma_start3A_246] : memref<2x16x80x125xi32, #tpu.memory_space<hbm>> -> memref<1x1x80x125xi32, #tpu.memory_space<hbm>>
      %dma_start3A_248 = tpu.memref_squeeze %dma_start3A_247 : memref<1x1x80x125xi32, #tpu.memory_space<hbm>> -> memref<80x125xi32, #tpu.memory_space<hbm>>
      %dma_start3A_249 = arith.constant 0 : i32
      %dma_start3A_250 = arith.constant 0 : i32
      %dma_start3A_251 = tpu.memref_slice %arg3[%run_scoped3A_6, %arg1, %dma_start3A_249, %dma_start3A_250] : memref<2x16x80x125xi32, #tpu.memory_space<hbm>> -> memref<1x1x80x125xi32, #tpu.memory_space<hbm>>
      %dma_start3A_252 = tpu.memref_squeeze %dma_start3A_251 : memref<1x1x80x125xi32, #tpu.memory_space<hbm>> -> memref<80x125xi32, #tpu.memory_space<hbm>>
      tpu.enqueue_dma source(%dma_start3A_252 : memref<80x125xi32, #tpu.memory_space<hbm>>) target(%arg8 : memref<80x125xi32, #tpu.memory_space<vmem>>) target_semaphore(%run_scoped3A_244 : memref<!tpu.dma_semaphore, #tpu.memory_space<semaphore_mem>>)
      %dma_wait3A_253 = arith.constant 0 : i32
      %dma_wait3A_254 = arith.constant 0 : i32
      %dma_wait3A_255 = tpu.memref_slice %arg3[%run_scoped3A_6, %arg1, %dma_wait3A_253, %dma_wait3A_254] : memref<2x16x80x125xi32, #tpu.memory_space<hbm>> -> memref<1x1x80x125xi32, #tpu.memory_space<hbm>>
      %dma_wait3A_256 = tpu.memref_squeeze %dma_wait3A_255 : memref<1x1x80x125xi32, #tpu.memory_space<hbm>> -> memref<80x125xi32, #tpu.memory_space<hbm>>
      %dma_wait3A_257 = arith.constant 0 : i32
      %dma_wait3A_258 = arith.constant 0 : i32
      %dma_wait3A_259 = tpu.memref_slice %arg3[%run_scoped3A_6, %arg1, %dma_wait3A_257, %dma_wait3A_258] : memref<2x16x80x125xi32, #tpu.memory_space<hbm>> -> memref<1x1x80x125xi32, #tpu.memory_space<hbm>>
      %dma_wait3A_260 = tpu.memref_squeeze %dma_wait3A_259 : memref<1x1x80x125xi32, #tpu.memory_space<hbm>> -> memref<80x125xi32, #tpu.memory_space<hbm>>
      tpu.wait_dma2 semaphore(%run_scoped3A_244 : memref<!tpu.dma_semaphore, #tpu.memory_space<semaphore_mem>>) src(%dma_wait3A_260 : memref<80x125xi32, #tpu.memory_space<hbm>>) dst(%arg8 : memref<80x125xi32, #tpu.memory_space<vmem>>)
      tpu.yield
    }) : () -> ()
    %mul3A = arith.constant 624 : i32
    %mul3A_7 = arith.muli %arg1, %mul3A : i32
    %add3A = arith.constant 0 : i32
    %add3A_8 = arith.addi %mul3A_7, %add3A : i32
    %dma_start3A = arith.constant 0 : i32
    %dma_start3A_9 = tpu.memref_slice %arg14[%add3A_8, %dma_start3A] : memref<10000x64xf32, #tpu.memory_space<vmem_shared>> -> memref<208x64xf32, #tpu.memory_space<vmem_shared>>
    %dma_start3A_10 = arith.constant 0 : i32
    %dma_start3A_11 = tpu.memref_slice %arg14[%add3A_8, %dma_start3A_10] : memref<10000x64xf32, #tpu.memory_space<vmem_shared>> -> memref<208x64xf32, #tpu.memory_space<vmem_shared>>
    tpu.enqueue_dma source(%arg13 : memref<208x64xf32, #tpu.memory_space<vmem>>) target(%dma_start3A_11 : memref<208x64xf32, #tpu.memory_space<vmem_shared>>) target_semaphore(%arg23 : memref<!tpu.dma_semaphore, #tpu.memory_space<semaphore_mem>>)
    %mul3A_12 = arith.constant 624 : i32
    %mul3A_13 = arith.muli %arg1, %mul3A_12 : i32
    %add3A_14 = arith.constant 208 : i32
    %add3A_15 = arith.addi %mul3A_13, %add3A_14 : i32
    %dma_start3A_16 = arith.constant 0 : i32
    %dma_start3A_17 = tpu.memref_slice %arg14[%add3A_15, %dma_start3A_16] : memref<10000x64xf32, #tpu.memory_space<vmem_shared>> -> memref<208x64xf32, #tpu.memory_space<vmem_shared>>
    %dma_start3A_18 = arith.constant 0 : i32
    %dma_start3A_19 = tpu.memref_slice %arg14[%add3A_15, %dma_start3A_18] : memref<10000x64xf32, #tpu.memory_space<vmem_shared>> -> memref<208x64xf32, #tpu.memory_space<vmem_shared>>
    tpu.enqueue_dma source(%arg13 : memref<208x64xf32, #tpu.memory_space<vmem>>) target(%dma_start3A_19 : memref<208x64xf32, #tpu.memory_space<vmem_shared>>) target_semaphore(%arg23 : memref<!tpu.dma_semaphore, #tpu.memory_space<semaphore_mem>>)
    %mul3A_20 = arith.constant 624 : i32
    %mul3A_21 = arith.muli %arg1, %mul3A_20 : i32
    %add3A_22 = arith.constant 416 : i32
    %add3A_23 = arith.addi %mul3A_21, %add3A_22 : i32
    %dma_start3A_24 = arith.constant 0 : i32
    %dma_start3A_25 = tpu.memref_slice %arg14[%add3A_23, %dma_start3A_24] : memref<10000x64xf32, #tpu.memory_space<vmem_shared>> -> memref<208x64xf32, #tpu.memory_space<vmem_shared>>
    %dma_start3A_26 = arith.constant 0 : i32
    %dma_start3A_27 = tpu.memref_slice %arg14[%add3A_23, %dma_start3A_26] : memref<10000x64xf32, #tpu.memory_space<vmem_shared>> -> memref<208x64xf32, #tpu.memory_space<vmem_shared>>
    tpu.enqueue_dma source(%arg13 : memref<208x64xf32, #tpu.memory_space<vmem>>) target(%dma_start3A_27 : memref<208x64xf32, #tpu.memory_space<vmem_shared>>) target_semaphore(%arg23 : memref<!tpu.dma_semaphore, #tpu.memory_space<semaphore_mem>>)
    %eq3A = arith.constant 15 : i32
    %eq3A_28 = arith.cmpi eq, %arg1, %eq3A : i32
    %convert_element_type3A = arith.extui %eq3A_28 : i1 to i32
    %cond3A = arith.constant 0 : i32
    %cond3A_29 = arith.cmpi ne, %convert_element_type3A, %cond3A : i32
    scf.if %cond3A_29 {
      %dma_start3A_244 = arith.constant 0 : i32
      %dma_start3A_245 = arith.constant 0 : i32
      %dma_start3A_246 = tpu.memref_slice %arg13[%dma_start3A_244, %dma_start3A_245] : memref<208x64xf32, #tpu.memory_space<vmem>> -> memref<16x64xf32, #tpu.memory_space<vmem>>
      %dma_start3A_247 = arith.constant 9984 : i32
      %dma_start3A_248 = arith.constant 0 : i32
      %dma_start3A_249 = tpu.memref_slice %arg14[%dma_start3A_247, %dma_start3A_248] : memref<10000x64xf32, #tpu.memory_space<vmem_shared>> -> memref<16x64xf32, #tpu.memory_space<vmem_shared>>
      %dma_start3A_250 = arith.constant 9984 : i32
      %dma_start3A_251 = arith.constant 0 : i32
      %dma_start3A_252 = tpu.memref_slice %arg14[%dma_start3A_250, %dma_start3A_251] : memref<10000x64xf32, #tpu.memory_space<vmem_shared>> -> memref<16x64xf32, #tpu.memory_space<vmem_shared>>
      %dma_start3A_253 = arith.constant 0 : i32
      %dma_start3A_254 = arith.constant 0 : i32
      %dma_start3A_255 = tpu.memref_slice %arg13[%dma_start3A_253, %dma_start3A_254] : memref<208x64xf32, #tpu.memory_space<vmem>> -> memref<16x64xf32, #tpu.memory_space<vmem>>
      tpu.enqueue_dma source(%dma_start3A_255 : memref<16x64xf32, #tpu.memory_space<vmem>>) target(%dma_start3A_252 : memref<16x64xf32, #tpu.memory_space<vmem_shared>>) target_semaphore(%arg23 : memref<!tpu.dma_semaphore, #tpu.memory_space<semaphore_mem>>)
      %dma_wait3A_256 = arith.constant 0 : i32
      %dma_wait3A_257 = arith.constant 0 : i32
      %dma_wait3A_258 = tpu.memref_slice %arg13[%dma_wait3A_256, %dma_wait3A_257] : memref<208x64xf32, #tpu.memory_space<vmem>> -> memref<16x64xf32, #tpu.memory_space<vmem>>
      %dma_wait3A_259 = arith.constant 9984 : i32
      %dma_wait3A_260 = arith.constant 0 : i32
      %dma_wait3A_261 = tpu.memref_slice %arg14[%dma_wait3A_259, %dma_wait3A_260] : memref<10000x64xf32, #tpu.memory_space<vmem_shared>> -> memref<16x64xf32, #tpu.memory_space<vmem_shared>>
      %dma_wait3A_262 = arith.constant 9984 : i32
      %dma_wait3A_263 = arith.constant 0 : i32
      %dma_wait3A_264 = tpu.memref_slice %arg14[%dma_wait3A_262, %dma_wait3A_263] : memref<10000x64xf32, #tpu.memory_space<vmem_shared>> -> memref<16x64xf32, #tpu.memory_space<vmem_shared>>
      %dma_wait3A_265 = arith.constant 0 : i32
      %dma_wait3A_266 = arith.constant 0 : i32
      %dma_wait3A_267 = tpu.memref_slice %arg13[%dma_wait3A_265, %dma_wait3A_266] : memref<208x64xf32, #tpu.memory_space<vmem>> -> memref<16x64xf32, #tpu.memory_space<vmem>>
      tpu.wait_dma2 semaphore(%arg23 : memref<!tpu.dma_semaphore, #tpu.memory_space<semaphore_mem>>) src(%dma_wait3A_267 : memref<16x64xf32, #tpu.memory_space<vmem>>) dst(%dma_wait3A_264 : memref<16x64xf32, #tpu.memory_space<vmem_shared>>)
    } else {
    }
    %mul3A_30 = arith.constant 2 : i32
    %mul3A_31 = arith.muli %arg0, %mul3A_30 : i32
    %scan3A_32 = arith.constant 0 : i32
    %scan3A_33 = arith.constant 0 : i32
    %scan3A_34 = arith.constant 80 : i32
    %scan3A_35 = arith.addi %scan3A_33, %scan3A_34 : i32
    %scan3A_36 = arith.constant 1 : i32
    scf.for %scan3A_244 = %scan3A_33 to %scan3A_35 step %scan3A_36  : i32 {
      %get3A = arith.index_cast %scan3A_244 : i32 to index
      %get3A_245 = arith.constant 0 : index
      %get3A_246 = tpu.vector_load %arg5[%get3A, %get3A_245] {strides = array<i32>} : memref<80x125xi32, #tpu.memory_space<vmem>>, vector<1x16xi32>,
      %get3A_247 = vector.shape_cast %get3A_246 : vector<1x16xi32> to vector<16xi32>
      %mul3A_248 = arith.constant 4 : i32
      %mul3A_249 = vector.broadcast %mul3A_248 : i32 to vector<16xi32>
      %mul3A_250 = arith.muli %get3A_247, %mul3A_249 : vector<16xi32>
      %add3A_251 = vector.broadcast %mul3A_31 : i32 to vector<16xi32>
      %add3A_252 = arith.addi %mul3A_250, %add3A_251 : vector<16xi32>
      %swap3A = arith.index_cast %scan3A_244 : i32 to index
      %swap3A_253 = arith.constant 0 : index
      %swap3A_254 = tpu.vector_load %arg6[%swap3A, %swap3A_253] {strides = array<i32>} : memref<80x125xi32, #tpu.memory_space<vmem>>, vector<1x16xi32>,
      %swap3A_255 = vector.shape_cast %swap3A_254 : vector<1x16xi32> to vector<16xi32>
      %swap3A_256 = vector.shape_cast %add3A_252 : vector<16xi32> to vector<1x16xi32>
      tpu.vector_store %arg6[%swap3A, %swap3A_253], %swap3A_256 {strides = array<i32>} : memref<80x125xi32, #tpu.memory_space<vmem>>, vector<1x16xi32>,
      %get3A_257 = arith.index_cast %scan3A_244 : i32 to index
      %get3A_258 = arith.constant 16 : index
      %get3A_259 = tpu.vector_load %arg5[%get3A_257, %get3A_258] {strides = array<i32>} : memref<80x125xi32, #tpu.memory_space<vmem>>, vector<1x16xi32>,
      %get3A_260 = vector.shape_cast %get3A_259 : vector<1x16xi32> to vector<16xi32>
      %mul3A_261 = arith.constant 4 : i32
      %mul3A_262 = vector.broadcast %mul3A_261 : i32 to vector<16xi32>
      %mul3A_263 = arith.muli %get3A_260, %mul3A_262 : vector<16xi32>
      %add3A_264 = vector.broadcast %mul3A_31 : i32 to vector<16xi32>
      %add3A_265 = arith.addi %mul3A_263, %add3A_264 : vector<16xi32>
      %swap3A_266 = arith.index_cast %scan3A_244 : i32 to index
      %swap3A_267 = arith.constant 16 : index
      %swap3A_268 = tpu.vector_load %arg6[%swap3A_266, %swap3A_267] {strides = array<i32>} : memref<80x125xi32, #tpu.memory_space<vmem>>, vector<1x16xi32>,
      %swap3A_269 = vector.shape_cast %swap3A_268 : vector<1x16xi32> to vector<16xi32>
      %swap3A_270 = vector.shape_cast %add3A_265 : vector<16xi32> to vector<1x16xi32>
      tpu.vector_store %arg6[%swap3A_266, %swap3A_267], %swap3A_270 {strides = array<i32>} : memref<80x125xi32, #tpu.memory_space<vmem>>, vector<1x16xi32>,
      %get3A_271 = arith.index_cast %scan3A_244 : i32 to index
      %get3A_272 = arith.constant 32 : index
      %get3A_273 = tpu.vector_load %arg5[%get3A_271, %get3A_272] {strides = array<i32>} : memref<80x125xi32, #tpu.memory_space<vmem>>, vector<1x16xi32>,
      %get3A_274 = vector.shape_cast %get3A_273 : vector<1x16xi32> to vector<16xi32>
      %mul3A_275 = arith.constant 4 : i32
      %mul3A_276 = vector.broadcast %mul3A_275 : i32 to vector<16xi32>
      %mul3A_277 = arith.muli %get3A_274, %mul3A_276 : vector<16xi32>
      %add3A_278 = vector.broadcast %mul3A_31 : i32 to vector<16xi32>
      %add3A_279 = arith.addi %mul3A_277, %add3A_278 : vector<16xi32>
      %swap3A_280 = arith.index_cast %scan3A_244 : i32 to index
      %swap3A_281 = arith.constant 32 : index
      %swap3A_282 = tpu.vector_load %arg6[%swap3A_280, %swap3A_281] {strides = array<i32>} : memref<80x125xi32, #tpu.memory_space<vmem>>, vector<1x16xi32>,
      %swap3A_283 = vector.shape_cast %swap3A_282 : vector<1x16xi32> to vector<16xi32>
      %swap3A_284 = vector.shape_cast %add3A_279 : vector<16xi32> to vector<1x16xi32>
      tpu.vector_store %arg6[%swap3A_280, %swap3A_281], %swap3A_284 {strides = array<i32>} : memref<80x125xi32, #tpu.memory_space<vmem>>, vector<1x16xi32>,
      %get3A_285 = arith.index_cast %scan3A_244 : i32 to index
      %get3A_286 = arith.constant 48 : index
      %get3A_287 = tpu.vector_load %arg5[%get3A_285, %get3A_286] {strides = array<i32>} : memref<80x125xi32, #tpu.memory_space<vmem>>, vector<1x16xi32>,
      %get3A_288 = vector.shape_cast %get3A_287 : vector<1x16xi32> to vector<16xi32>
      %mul3A_289 = arith.constant 4 : i32
      %mul3A_290 = vector.broadcast %mul3A_289 : i32 to vector<16xi32>
      %mul3A_291 = arith.muli %get3A_288, %mul3A_290 : vector<16xi32>
      %add3A_292 = vector.broadcast %mul3A_31 : i32 to vector<16xi32>
      %add3A_293 = arith.addi %mul3A_291, %add3A_292 : vector<16xi32>
      %swap3A_294 = arith.index_cast %scan3A_244 : i32 to index
      %swap3A_295 = arith.constant 48 : index
      %swap3A_296 = tpu.vector_load %arg6[%swap3A_294, %swap3A_295] {strides = array<i32>} : memref<80x125xi32, #tpu.memory_space<vmem>>, vector<1x16xi32>,
      %swap3A_297 = vector.shape_cast %swap3A_296 : vector<1x16xi32> to vector<16xi32>
      %swap3A_298 = vector.shape_cast %add3A_293 : vector<16xi32> to vector<1x16xi32>
      tpu.vector_store %arg6[%swap3A_294, %swap3A_295], %swap3A_298 {strides = array<i32>} : memref<80x125xi32, #tpu.memory_space<vmem>>, vector<1x16xi32>,
      %get3A_299 = arith.index_cast %scan3A_244 : i32 to index
      %get3A_300 = arith.constant 64 : index
      %get3A_301 = tpu.vector_load %arg5[%get3A_299, %get3A_300] {strides = array<i32>} : memref<80x125xi32, #tpu.memory_space<vmem>>, vector<1x16xi32>,
      %get3A_302 = vector.shape_cast %get3A_301 : vector<1x16xi32> to vector<16xi32>
      %mul3A_303 = arith.constant 4 : i32
      %mul3A_304 = vector.broadcast %mul3A_303 : i32 to vector<16xi32>
      %mul3A_305 = arith.muli %get3A_302, %mul3A_304 : vector<16xi32>
      %add3A_306 = vector.broadcast %mul3A_31 : i32 to vector<16xi32>
      %add3A_307 = arith.addi %mul3A_305, %add3A_306 : vector<16xi32>
      %swap3A_308 = arith.index_cast %scan3A_244 : i32 to index
      %swap3A_309 = arith.constant 64 : index
      %swap3A_310 = tpu.vector_load %arg6[%swap3A_308, %swap3A_309] {strides = array<i32>} : memref<80x125xi32, #tpu.memory_space<vmem>>, vector<1x16xi32>,
      %swap3A_311 = vector.shape_cast %swap3A_310 : vector<1x16xi32> to vector<16xi32>
      %swap3A_312 = vector.shape_cast %add3A_307 : vector<16xi32> to vector<1x16xi32>
      tpu.vector_store %arg6[%swap3A_308, %swap3A_309], %swap3A_312 {strides = array<i32>} : memref<80x125xi32, #tpu.memory_space<vmem>>, vector<1x16xi32>,
      %get3A_313 = arith.index_cast %scan3A_244 : i32 to index
      %get3A_314 = arith.constant 80 : index
      %get3A_315 = tpu.vector_load %arg5[%get3A_313, %get3A_314] {strides = array<i32>} : memref<80x125xi32, #tpu.memory_space<vmem>>, vector<1x16xi32>,
      %get3A_316 = vector.shape_cast %get3A_315 : vector<1x16xi32> to vector<16xi32>
      %mul3A_317 = arith.constant 4 : i32
      %mul3A_318 = vector.broadcast %mul3A_317 : i32 to vector<16xi32>
      %mul3A_319 = arith.muli %get3A_316, %mul3A_318 : vector<16xi32>
      %add3A_320 = vector.broadcast %mul3A_31 : i32 to vector<16xi32>
      %add3A_321 = arith.addi %mul3A_319, %add3A_320 : vector<16xi32>
      %swap3A_322 = arith.index_cast %scan3A_244 : i32 to index
      %swap3A_323 = arith.constant 80 : index
      %swap3A_324 = tpu.vector_load %arg6[%swap3A_322, %swap3A_323] {strides = array<i32>} : memref<80x125xi32, #tpu.memory_space<vmem>>, vector<1x16xi32>,
      %swap3A_325 = vector.shape_cast %swap3A_324 : vector<1x16xi32> to vector<16xi32>
      %swap3A_326 = vector.shape_cast %add3A_321 : vector<16xi32> to vector<1x16xi32>
      tpu.vector_store %arg6[%swap3A_322, %swap3A_323], %swap3A_326 {strides = array<i32>} : memref<80x125xi32, #tpu.memory_space<vmem>>, vector<1x16xi32>,
      %get3A_327 = arith.index_cast %scan3A_244 : i32 to index
      %get3A_328 = arith.constant 96 : index
      %get3A_329 = tpu.vector_load %arg5[%get3A_327, %get3A_328] {strides = array<i32>} : memref<80x125xi32, #tpu.memory_space<vmem>>, vector<1x16xi32>,
      %get3A_330 = vector.shape_cast %get3A_329 : vector<1x16xi32> to vector<16xi32>
      %mul3A_331 = arith.constant 4 : i32
      %mul3A_332 = vector.broadcast %mul3A_331 : i32 to vector<16xi32>
      %mul3A_333 = arith.muli %get3A_330, %mul3A_332 : vector<16xi32>
      %add3A_334 = vector.broadcast %mul3A_31 : i32 to vector<16xi32>
      %add3A_335 = arith.addi %mul3A_333, %add3A_334 : vector<16xi32>
      %swap3A_336 = arith.index_cast %scan3A_244 : i32 to index
      %swap3A_337 = arith.constant 96 : index
      %swap3A_338 = tpu.vector_load %arg6[%swap3A_336, %swap3A_337] {strides = array<i32>} : memref<80x125xi32, #tpu.memory_space<vmem>>, vector<1x16xi32>,
      %swap3A_339 = vector.shape_cast %swap3A_338 : vector<1x16xi32> to vector<16xi32>
      %swap3A_340 = vector.shape_cast %add3A_335 : vector<16xi32> to vector<1x16xi32>
      tpu.vector_store %arg6[%swap3A_336, %swap3A_337], %swap3A_340 {strides = array<i32>} : memref<80x125xi32, #tpu.memory_space<vmem>>, vector<1x16xi32>,
      %get3A_341 = arith.index_cast %scan3A_244 : i32 to index
      %get3A_342 = arith.constant 109 : index
      %get3A_343 = tpu.vector_load %arg5[%get3A_341, %get3A_342] {strides = array<i32>} : memref<80x125xi32, #tpu.memory_space<vmem>>, vector<1x16xi32>,
      %get3A_344 = vector.shape_cast %get3A_343 : vector<1x16xi32> to vector<16xi32>
      %mul3A_345 = arith.constant 4 : i32
      %mul3A_346 = vector.broadcast %mul3A_345 : i32 to vector<16xi32>
      %mul3A_347 = arith.muli %get3A_344, %mul3A_346 : vector<16xi32>
      %add3A_348 = vector.broadcast %mul3A_31 : i32 to vector<16xi32>
      %add3A_349 = arith.addi %mul3A_347, %add3A_348 : vector<16xi32>
      %swap3A_350 = arith.index_cast %scan3A_244 : i32 to index
      %swap3A_351 = arith.constant 109 : index
      %swap3A_352 = tpu.vector_load %arg6[%swap3A_350, %swap3A_351] {strides = array<i32>} : memref<80x125xi32, #tpu.memory_space<vmem>>, vector<1x16xi32>,
      %swap3A_353 = vector.shape_cast %swap3A_352 : vector<1x16xi32> to vector<16xi32>
      %swap3A_354 = vector.shape_cast %add3A_349 : vector<16xi32> to vector<1x16xi32>
      tpu.vector_store %arg6[%swap3A_350, %swap3A_351], %swap3A_354 {strides = array<i32>} : memref<80x125xi32, #tpu.memory_space<vmem>>, vector<1x16xi32>,
    }
    %scan3A_37 = arith.constant 80 : i32
    %mul3A_38 = arith.constant 2 : i32
    %mul3A_39 = arith.muli %mul3A_38, %arg0 : i32
    %add3A_40 = arith.constant 0 : i32
    %add3A_41 = arith.addi %mul3A_39, %add3A_40 : i32
    %dma_wait3A = arith.constant 0 : i32
    %dma_wait3A_42 = tpu.memref_slice %arg14[%add3A_8, %dma_wait3A] : memref<10000x64xf32, #tpu.memory_space<vmem_shared>> -> memref<208x64xf32, #tpu.memory_space<vmem_shared>>
    %dma_wait3A_43 = arith.constant 0 : i32
    %dma_wait3A_44 = tpu.memref_slice %arg14[%add3A_8, %dma_wait3A_43] : memref<10000x64xf32, #tpu.memory_space<vmem_shared>> -> memref<208x64xf32, #tpu.memory_space<vmem_shared>>
    tpu.wait_dma2 semaphore(%arg23 : memref<!tpu.dma_semaphore, #tpu.memory_space<semaphore_mem>>) src(%arg13 : memref<208x64xf32, #tpu.memory_space<vmem>>) dst(%dma_wait3A_44 : memref<208x64xf32, #tpu.memory_space<vmem_shared>>)
    %dma_wait3A_45 = arith.constant 0 : i32
    %dma_wait3A_46 = tpu.memref_slice %arg14[%add3A_15, %dma_wait3A_45] : memref<10000x64xf32, #tpu.memory_space<vmem_shared>> -> memref<208x64xf32, #tpu.memory_space<vmem_shared>>
    %dma_wait3A_47 = arith.constant 0 : i32
    %dma_wait3A_48 = tpu.memref_slice %arg14[%add3A_15, %dma_wait3A_47] : memref<10000x64xf32, #tpu.memory_space<vmem_shared>> -> memref<208x64xf32, #tpu.memory_space<vmem_shared>>
    tpu.wait_dma2 semaphore(%arg23 : memref<!tpu.dma_semaphore, #tpu.memory_space<semaphore_mem>>) src(%arg13 : memref<208x64xf32, #tpu.memory_space<vmem>>) dst(%dma_wait3A_48 : memref<208x64xf32, #tpu.memory_space<vmem_shared>>)
    %dma_wait3A_49 = arith.constant 0 : i32
    %dma_wait3A_50 = tpu.memref_slice %arg14[%add3A_23, %dma_wait3A_49] : memref<10000x64xf32, #tpu.memory_space<vmem_shared>> -> memref<208x64xf32, #tpu.memory_space<vmem_shared>>
    %dma_wait3A_51 = arith.constant 0 : i32
    %dma_wait3A_52 = tpu.memref_slice %arg14[%add3A_23, %dma_wait3A_51] : memref<10000x64xf32, #tpu.memory_space<vmem_shared>> -> memref<208x64xf32, #tpu.memory_space<vmem_shared>>
    tpu.wait_dma2 semaphore(%arg23 : memref<!tpu.dma_semaphore, #tpu.memory_space<semaphore_mem>>) src(%arg13 : memref<208x64xf32, #tpu.memory_space<vmem>>) dst(%dma_wait3A_52 : memref<208x64xf32, #tpu.memory_space<vmem_shared>>)
    %barrier3A = arith.constant 0 : index
    tpu.barrier barrier_id(%barrier3A)
    %dma_start3A_53 = arith.constant 0 : i32
    %dma_start3A_54 = arith.constant 0 : i32
    %dma_start3A_55 = tpu.memref_slice %arg6[%dma_start3A_53, %dma_start3A_54] : memref<80x125xi32, #tpu.memory_space<vmem>> -> memref<1x125xi32, #tpu.memory_space<vmem>>
    %dma_start3A_56 = tpu.memref_squeeze %dma_start3A_55 : memref<1x125xi32, #tpu.memory_space<vmem>> -> memref<125xi32, #tpu.memory_space<vmem>>
    %dma_start3A_57 = arith.constant 0 : i32
    %dma_start3A_58 = arith.constant 0 : i32
    %dma_start3A_59 = tpu.memref_slice %arg2[%dma_start3A_57, %dma_start3A_58] : memref<40000x64xf32, #tpu.memory_space<hbm>> -> memref<40000x64xf32, #tpu.memory_space<hbm>>
    tpu.enqueue_indirect_dma source(%dma_start3A_59 : memref<40000x64xf32, #tpu.memory_space<hbm>>) target(%arg9 : memref<125x64xf32, #tpu.memory_space<vmem>>) offsets(%dma_start3A_56 : memref<125xi32, #tpu.memory_space<vmem>>) semaphore(%arg15 : memref<!tpu.dma_semaphore, #tpu.memory_space<semaphore_mem>>)
    %dma_start3A_60 = arith.constant 1 : i32
    %dma_start3A_61 = arith.constant 0 : i32
    %dma_start3A_62 = tpu.memref_slice %arg6[%dma_start3A_60, %dma_start3A_61] : memref<80x125xi32, #tpu.memory_space<vmem>> -> memref<1x125xi32, #tpu.memory_space<vmem>>
    %dma_start3A_63 = tpu.memref_squeeze %dma_start3A_62 : memref<1x125xi32, #tpu.memory_space<vmem>> -> memref<125xi32, #tpu.memory_space<vmem>>
    %dma_start3A_64 = arith.constant 0 : i32
    %dma_start3A_65 = arith.constant 0 : i32
    %dma_start3A_66 = tpu.memref_slice %arg2[%dma_start3A_64, %dma_start3A_65] : memref<40000x64xf32, #tpu.memory_space<hbm>> -> memref<40000x64xf32, #tpu.memory_space<hbm>>
    tpu.enqueue_indirect_dma source(%dma_start3A_66 : memref<40000x64xf32, #tpu.memory_space<hbm>>) target(%arg10 : memref<125x64xf32, #tpu.memory_space<vmem>>) offsets(%dma_start3A_63 : memref<125xi32, #tpu.memory_space<vmem>>) semaphore(%arg16 : memref<!tpu.dma_semaphore, #tpu.memory_space<semaphore_mem>>)
    %dma_start3A_67 = arith.constant 2 : i32
    %dma_start3A_68 = arith.constant 0 : i32
    %dma_start3A_69 = tpu.memref_slice %arg6[%dma_start3A_67, %dma_start3A_68] : memref<80x125xi32, #tpu.memory_space<vmem>> -> memref<1x125xi32, #tpu.memory_space<vmem>>
    %dma_start3A_70 = tpu.memref_squeeze %dma_start3A_69 : memref<1x125xi32, #tpu.memory_space<vmem>> -> memref<125xi32, #tpu.memory_space<vmem>>
    %dma_start3A_71 = arith.constant 0 : i32
    %dma_start3A_72 = arith.constant 0 : i32
    %dma_start3A_73 = tpu.memref_slice %arg2[%dma_start3A_71, %dma_start3A_72] : memref<40000x64xf32, #tpu.memory_space<hbm>> -> memref<40000x64xf32, #tpu.memory_space<hbm>>
    tpu.enqueue_indirect_dma source(%dma_start3A_73 : memref<40000x64xf32, #tpu.memory_space<hbm>>) target(%arg11 : memref<125x64xf32, #tpu.memory_space<vmem>>) offsets(%dma_start3A_70 : memref<125xi32, #tpu.memory_space<vmem>>) semaphore(%arg17 : memref<!tpu.dma_semaphore, #tpu.memory_space<semaphore_mem>>)
    %dma_start3A_74 = arith.constant 3 : i32
    %dma_start3A_75 = arith.constant 0 : i32
    %dma_start3A_76 = tpu.memref_slice %arg6[%dma_start3A_74, %dma_start3A_75] : memref<80x125xi32, #tpu.memory_space<vmem>> -> memref<1x125xi32, #tpu.memory_space<vmem>>
    %dma_start3A_77 = tpu.memref_squeeze %dma_start3A_76 : memref<1x125xi32, #tpu.memory_space<vmem>> -> memref<125xi32, #tpu.memory_space<vmem>>
    %dma_start3A_78 = arith.constant 0 : i32
    %dma_start3A_79 = arith.constant 0 : i32
    %dma_start3A_80 = tpu.memref_slice %arg2[%dma_start3A_78, %dma_start3A_79] : memref<40000x64xf32, #tpu.memory_space<hbm>> -> memref<40000x64xf32, #tpu.memory_space<hbm>>
    tpu.enqueue_indirect_dma source(%dma_start3A_80 : memref<40000x64xf32, #tpu.memory_space<hbm>>) target(%arg12 : memref<125x64xf32, #tpu.memory_space<vmem>>) offsets(%dma_start3A_77 : memref<125xi32, #tpu.memory_space<vmem>>) semaphore(%arg18 : memref<!tpu.dma_semaphore, #tpu.memory_space<semaphore_mem>>)
    %scan3A_81 = arith.constant 0 : i32
    %scan3A_82 = arith.constant 0 : i32
    %scan3A_83 = arith.constant 20 : i32
    %scan3A_84 = arith.addi %scan3A_82, %scan3A_83 : i32
    %scan3A_85 = arith.constant 1 : i32
    scf.for %scan3A_244 = %scan3A_82 to %scan3A_84 step %scan3A_85  : i32 {
      %mul3A_245 = arith.constant 4 : i32
      %mul3A_246 = arith.muli %mul3A_245, %scan3A_244 : i32
      %add3A_247 = arith.constant 0 : i32
      %add3A_248 = arith.addi %mul3A_246, %add3A_247 : i32
      %dma_wait3A_249 = arith.constant 0 : i32
      %dma_wait3A_250 = tpu.memref_slice %arg6[%add3A_248, %dma_wait3A_249] : memref<80x125xi32, #tpu.memory_space<vmem>> -> memref<1x125xi32, #tpu.memory_space<vmem>>
      %dma_wait3A_251 = tpu.memref_squeeze %dma_wait3A_250 : memref<1x125xi32, #tpu.memory_space<vmem>> -> memref<125xi32, #tpu.memory_space<vmem>>
      %dma_wait3A_252 = arith.constant 0 : i32
      %dma_wait3A_253 = arith.constant 0 : i32
      %dma_wait3A_254 = tpu.memref_slice %arg2[%dma_wait3A_252, %dma_wait3A_253] : memref<40000x64xf32, #tpu.memory_space<hbm>> -> memref<40000x64xf32, #tpu.memory_space<hbm>>
      tpu.wait_indirect_dma semaphore(%arg15 : memref<!tpu.dma_semaphore, #tpu.memory_space<semaphore_mem>>) src(%dma_wait3A_254 : memref<40000x64xf32, #tpu.memory_space<hbm>>) dst(%arg9 : memref<125x64xf32, #tpu.memory_space<vmem>>)
      %dma_start3A_255 = arith.constant 0 : i32
      %dma_start3A_256 = tpu.memref_slice %arg8[%add3A_248, %dma_start3A_255] : memref<80x125xi32, #tpu.memory_space<vmem>> -> memref<1x125xi32, #tpu.memory_space<vmem>>
      %dma_start3A_257 = tpu.memref_squeeze %dma_start3A_256 : memref<1x125xi32, #tpu.memory_space<vmem>> -> memref<125xi32, #tpu.memory_space<vmem>>
      %dma_start3A_258 = arith.constant 0 : i32
      %dma_start3A_259 = arith.constant 0 : i32
      %dma_start3A_260 = tpu.memref_slice %arg14[%dma_start3A_258, %dma_start3A_259] : memref<10000x64xf32, #tpu.memory_space<vmem_shared>> -> memref<10000x64xf32, #tpu.memory_space<vmem_shared>>
      tpu.enqueue_indirect_dma source(%arg9 : memref<125x64xf32, #tpu.memory_space<vmem>>) target(%dma_start3A_260 : memref<10000x64xf32, #tpu.memory_space<vmem_shared>>) offsets(%dma_start3A_257 : memref<125xi32, #tpu.memory_space<vmem>>) semaphore(%arg19 : memref<!tpu.dma_semaphore, #tpu.memory_space<semaphore_mem>>) {add = true}
      %sub3A = arith.constant 1 : i32
      %sub3A_261 = arith.subi %add3A_248, %sub3A : i32
      %gt3A = arith.constant 0 : i32
      %gt3A_262 = arith.cmpi sgt, %mul3A_246, %gt3A : i32
      %sub3A_263 = arith.constant 1 : i32
      %sub3A_264 = arith.subi %mul3A_246, %sub3A_263 : i32
      %add3A_265 = arith.constant 4 : i32
      %add3A_266 = arith.addi %sub3A_264, %add3A_265 : i32
      %lt3A_267 = arith.constant 80 : i32
      %lt3A_268 = arith.cmpi slt, %add3A_266, %lt3A_267 : i32
      %and3A = arith.andi %gt3A_262, %lt3A_268 : i1
      %convert_element_type3A_269 = arith.extui %and3A : i1 to i32
      %cond3A_270 = arith.constant 0 : i32
      %cond3A_271 = arith.cmpi ne, %convert_element_type3A_269, %cond3A_270 : i32
      scf.if %cond3A_271 {
        %dma_wait3A_851 = arith.constant 0 : i32
        %dma_wait3A_852 = tpu.memref_slice %arg8[%sub3A_261, %dma_wait3A_851] : memref<80x125xi32, #tpu.memory_space<vmem>> -> memref<1x125xi32, #tpu.memory_space<vmem>>
        %dma_wait3A_853 = tpu.memref_squeeze %dma_wait3A_852 : memref<1x125xi32, #tpu.memory_space<vmem>> -> memref<125xi32, #tpu.memory_space<vmem>>
        %dma_wait3A_854 = arith.constant 0 : i32
        %dma_wait3A_855 = arith.constant 0 : i32
        %dma_wait3A_856 = tpu.memref_slice %arg14[%dma_wait3A_854, %dma_wait3A_855] : memref<10000x64xf32, #tpu.memory_space<vmem_shared>> -> memref<10000x64xf32, #tpu.memory_space<vmem_shared>>
        tpu.wait_indirect_dma semaphore(%arg22 : memref<!tpu.dma_semaphore, #tpu.memory_space<semaphore_mem>>) src(%arg12 : memref<125x64xf32, #tpu.memory_space<vmem>>) dst(%dma_wait3A_856 : memref<10000x64xf32, #tpu.memory_space<vmem_shared>>)
        %add3A_857 = arith.constant 4 : i32
        %add3A_858 = arith.addi %sub3A_261, %add3A_857 : i32
        %dma_start3A_859 = arith.constant 0 : i32
        %dma_start3A_860 = tpu.memref_slice %arg6[%add3A_858, %dma_start3A_859] : memref<80x125xi32, #tpu.memory_space<vmem>> -> memref<1x125xi32, #tpu.memory_space<vmem>>
        %dma_start3A_861 = tpu.memref_squeeze %dma_start3A_860 : memref<1x125xi32, #tpu.memory_space<vmem>> -> memref<125xi32, #tpu.memory_space<vmem>>
        %dma_start3A_862 = arith.constant 0 : i32
        %dma_start3A_863 = arith.constant 0 : i32
        %dma_start3A_864 = tpu.memref_slice %arg2[%dma_start3A_862, %dma_start3A_863] : memref<40000x64xf32, #tpu.memory_space<hbm>> -> memref<40000x64xf32, #tpu.memory_space<hbm>>
        tpu.enqueue_indirect_dma source(%dma_start3A_864 : memref<40000x64xf32, #tpu.memory_space<hbm>>) target(%arg12 : memref<125x64xf32, #tpu.memory_space<vmem>>) offsets(%dma_start3A_861 : memref<125xi32, #tpu.memory_space<vmem>>) semaphore(%arg18 : memref<!tpu.dma_semaphore, #tpu.memory_space<semaphore_mem>>)
      } else {
      }
      %add3A_272 = arith.constant 1 : i32
      %add3A_273 = arith.addi %mul3A_246, %add3A_272 : i32
      %dma_wait3A_274 = arith.constant 0 : i32
      %dma_wait3A_275 = tpu.memref_slice %arg6[%add3A_273, %dma_wait3A_274] : memref<80x125xi32, #tpu.memory_space<vmem>> -> memref<1x125xi32, #tpu.memory_space<vmem>>
      %dma_wait3A_276 = tpu.memref_squeeze %dma_wait3A_275 : memref<1x125xi32, #tpu.memory_space<vmem>> -> memref<125xi32, #tpu.memory_space<vmem>>
      %dma_wait3A_277 = arith.constant 0 : i32
      %dma_wait3A_278 = arith.constant 0 : i32
      %dma_wait3A_279 = tpu.memref_slice %arg2[%dma_wait3A_277, %dma_wait3A_278] : memref<40000x64xf32, #tpu.memory_space<hbm>> -> memref<40000x64xf32, #tpu.memory_space<hbm>>
      tpu.wait_indirect_dma semaphore(%arg16 : memref<!tpu.dma_semaphore, #tpu.memory_space<semaphore_mem>>) src(%dma_wait3A_279 : memref<40000x64xf32, #tpu.memory_space<hbm>>) dst(%arg10 : memref<125x64xf32, #tpu.memory_space<vmem>>)
      %dma_start3A_280 = arith.constant 0 : i32
      %dma_start3A_281 = tpu.memref_slice %arg8[%add3A_273, %dma_start3A_280] : memref<80x125xi32, #tpu.memory_space<vmem>> -> memref<1x125xi32, #tpu.memory_space<vmem>>
      %dma_start3A_282 = tpu.memref_squeeze %dma_start3A_281 : memref<1x125xi32, #tpu.memory_space<vmem>> -> memref<125xi32, #tpu.memory_space<vmem>>
      %dma_start3A_283 = arith.constant 0 : i32
      %dma_start3A_284 = arith.constant 0 : i32
      %dma_start3A_285 = tpu.memref_slice %arg14[%dma_start3A_283, %dma_start3A_284] : memref<10000x64xf32, #tpu.memory_space<vmem_shared>> -> memref<10000x64xf32, #tpu.memory_space<vmem_shared>>
      tpu.enqueue_indirect_dma source(%arg10 : memref<125x64xf32, #tpu.memory_space<vmem>>) target(%dma_start3A_285 : memref<10000x64xf32, #tpu.memory_space<vmem_shared>>) offsets(%dma_start3A_282 : memref<125xi32, #tpu.memory_space<vmem>>) semaphore(%arg20 : memref<!tpu.dma_semaphore, #tpu.memory_space<semaphore_mem>>) {add = true}
      %sub3A_286 = arith.constant 1 : i32
      %sub3A_287 = arith.subi %add3A_273, %sub3A_286 : i32
      %add3A_288 = arith.constant 4 : i32
      %add3A_289 = arith.addi %sub3A_287, %add3A_288 : i32
      %lt3A_290 = arith.constant 80 : i32
      %lt3A_291 = arith.cmpi slt, %add3A_289, %lt3A_290 : i32
      %convert_element_type3A_292 = arith.extui %lt3A_291 : i1 to i32
      %cond3A_293 = arith.constant 0 : i32
      %cond3A_294 = arith.cmpi ne, %convert_element_type3A_292, %cond3A_293 : i32
      scf.if %cond3A_294 {
        %dma_wait3A_851 = arith.constant 0 : i32
        %dma_wait3A_852 = tpu.memref_slice %arg8[%sub3A_287, %dma_wait3A_851] : memref<80x125xi32, #tpu.memory_space<vmem>> -> memref<1x125xi32, #tpu.memory_space<vmem>>
        %dma_wait3A_853 = tpu.memref_squeeze %dma_wait3A_852 : memref<1x125xi32, #tpu.memory_space<vmem>> -> memref<125xi32, #tpu.memory_space<vmem>>
        %dma_wait3A_854 = arith.constant 0 : i32
        %dma_wait3A_855 = arith.constant 0 : i32
        %dma_wait3A_856 = tpu.memref_slice %arg14[%dma_wait3A_854, %dma_wait3A_855] : memref<10000x64xf32, #tpu.memory_space<vmem_shared>> -> memref<10000x64xf32, #tpu.memory_space<vmem_shared>>
        tpu.wait_indirect_dma semaphore(%arg19 : memref<!tpu.dma_semaphore, #tpu.memory_space<semaphore_mem>>) src(%arg9 : memref<125x64xf32, #tpu.memory_space<vmem>>) dst(%dma_wait3A_856 : memref<10000x64xf32, #tpu.memory_space<vmem_shared>>)
        %add3A_857 = arith.constant 4 : i32
        %add3A_858 = arith.addi %sub3A_287, %add3A_857 : i32
        %dma_start3A_859 = arith.constant 0 : i32
        %dma_start3A_860 = tpu.memref_slice %arg6[%add3A_858, %dma_start3A_859] : memref<80x125xi32, #tpu.memory_space<vmem>> -> memref<1x125xi32, #tpu.memory_space<vmem>>
        %dma_start3A_861 = tpu.memref_squeeze %dma_start3A_860 : memref<1x125xi32, #tpu.memory_space<vmem>> -> memref<125xi32, #tpu.memory_space<vmem>>
        %dma_start3A_862 = arith.constant 0 : i32
        %dma_start3A_863 = arith.constant 0 : i32
        %dma_start3A_864 = tpu.memref_slice %arg2[%dma_start3A_862, %dma_start3A_863] : memref<40000x64xf32, #tpu.memory_space<hbm>> -> memref<40000x64xf32, #tpu.memory_space<hbm>>
        tpu.enqueue_indirect_dma source(%dma_start3A_864 : memref<40000x64xf32, #tpu.memory_space<hbm>>) target(%arg9 : memref<125x64xf32, #tpu.memory_space<vmem>>) offsets(%dma_start3A_861 : memref<125xi32, #tpu.memory_space<vmem>>) semaphore(%arg15 : memref<!tpu.dma_semaphore, #tpu.memory_space<semaphore_mem>>)
      } else {
      }
      %add3A_295 = arith.constant 2 : i32
      %add3A_296 = arith.addi %mul3A_246, %add3A_295 : i32
      %dma_wait3A_297 = arith.constant 0 : i32
      %dma_wait3A_298 = tpu.memref_slice %arg6[%add3A_296, %dma_wait3A_297] : memref<80x125xi32, #tpu.memory_space<vmem>> -> memref<1x125xi32, #tpu.memory_space<vmem>>
      %dma_wait3A_299 = tpu.memref_squeeze %dma_wait3A_298 : memref<1x125xi32, #tpu.memory_space<vmem>> -> memref<125xi32, #tpu.memory_space<vmem>>
      %dma_wait3A_300 = arith.constant 0 : i32
      %dma_wait3A_301 = arith.constant 0 : i32
      %dma_wait3A_302 = tpu.memref_slice %arg2[%dma_wait3A_300, %dma_wait3A_301] : memref<40000x64xf32, #tpu.memory_space<hbm>> -> memref<40000x64xf32, #tpu.memory_space<hbm>>
      tpu.wait_indirect_dma semaphore(%arg17 : memref<!tpu.dma_semaphore, #tpu.memory_space<semaphore_mem>>) src(%dma_wait3A_302 : memref<40000x64xf32, #tpu.memory_space<hbm>>) dst(%arg11 : memref<125x64xf32, #tpu.memory_space<vmem>>)
      %dma_start3A_303 = arith.constant 0 : i32
      %dma_start3A_304 = tpu.memref_slice %arg8[%add3A_296, %dma_start3A_303] : memref<80x125xi32, #tpu.memory_space<vmem>> -> memref<1x125xi32, #tpu.memory_space<vmem>>
      %dma_start3A_305 = tpu.memref_squeeze %dma_start3A_304 : memref<1x125xi32, #tpu.memory_space<vmem>> -> memref<125xi32, #tpu.memory_space<vmem>>
      %dma_start3A_306 = arith.constant 0 : i32
      %dma_start3A_307 = arith.constant 0 : i32
      %dma_start3A_308 = tpu.memref_slice %arg14[%dma_start3A_306, %dma_start3A_307] : memref<10000x64xf32, #tpu.memory_space<vmem_shared>> -> memref<10000x64xf32, #tpu.memory_space<vmem_shared>>
      tpu.enqueue_indirect_dma source(%arg11 : memref<125x64xf32, #tpu.memory_space<vmem>>) target(%dma_start3A_308 : memref<10000x64xf32, #tpu.memory_space<vmem_shared>>) offsets(%dma_start3A_305 : memref<125xi32, #tpu.memory_space<vmem>>) semaphore(%arg21 : memref<!tpu.dma_semaphore, #tpu.memory_space<semaphore_mem>>) {add = true}
      %sub3A_309 = arith.constant 1 : i32
      %sub3A_310 = arith.subi %add3A_296, %sub3A_309 : i32
      %add3A_311 = arith.constant 4 : i32
      %add3A_312 = arith.addi %sub3A_310, %add3A_311 : i32
      %lt3A_313 = arith.constant 80 : i32
      %lt3A_314 = arith.cmpi slt, %add3A_312, %lt3A_313 : i32
      %convert_element_type3A_315 = arith.extui %lt3A_314 : i1 to i32
      %cond3A_316 = arith.constant 0 : i32
      %cond3A_317 = arith.cmpi ne, %convert_element_type3A_315, %cond3A_316 : i32
      scf.if %cond3A_317 {
        %dma_wait3A_851 = arith.constant 0 : i32
        %dma_wait3A_852 = tpu.memref_slice %arg8[%sub3A_310, %dma_wait3A_851] : memref<80x125xi32, #tpu.memory_space<vmem>> -> memref<1x125xi32, #tpu.memory_space<vmem>>
        %dma_wait3A_853 = tpu.memref_squeeze %dma_wait3A_852 : memref<1x125xi32, #tpu.memory_space<vmem>> -> memref<125xi32, #tpu.memory_space<vmem>>
        %dma_wait3A_854 = arith.constant 0 : i32
        %dma_wait3A_855 = arith.constant 0 : i32
        %dma_wait3A_856 = tpu.memref_slice %arg14[%dma_wait3A_854, %dma_wait3A_855] : memref<10000x64xf32, #tpu.memory_space<vmem_shared>> -> memref<10000x64xf32, #tpu.memory_space<vmem_shared>>
        tpu.wait_indirect_dma semaphore(%arg20 : memref<!tpu.dma_semaphore, #tpu.memory_space<semaphore_mem>>) src(%arg10 : memref<125x64xf32, #tpu.memory_space<vmem>>) dst(%dma_wait3A_856 : memref<10000x64xf32, #tpu.memory_space<vmem_shared>>)
        %add3A_857 = arith.constant 4 : i32
        %add3A_858 = arith.addi %sub3A_310, %add3A_857 : i32
        %dma_start3A_859 = arith.constant 0 : i32
        %dma_start3A_860 = tpu.memref_slice %arg6[%add3A_858, %dma_start3A_859] : memref<80x125xi32, #tpu.memory_space<vmem>> -> memref<1x125xi32, #tpu.memory_space<vmem>>
        %dma_start3A_861 = tpu.memref_squeeze %dma_start3A_860 : memref<1x125xi32, #tpu.memory_space<vmem>> -> memref<125xi32, #tpu.memory_space<vmem>>
        %dma_start3A_862 = arith.constant 0 : i32
        %dma_start3A_863 = arith.constant 0 : i32
        %dma_start3A_864 = tpu.memref_slice %arg2[%dma_start3A_862, %dma_start3A_863] : memref<40000x64xf32, #tpu.memory_space<hbm>> -> memref<40000x64xf32, #tpu.memory_space<hbm>>
        tpu.enqueue_indirect_dma source(%dma_start3A_864 : memref<40000x64xf32, #tpu.memory_space<hbm>>) target(%arg10 : memref<125x64xf32, #tpu.memory_space<vmem>>) offsets(%dma_start3A_861 : memref<125xi32, #tpu.memory_space<vmem>>) semaphore(%arg16 : memref<!tpu.dma_semaphore, #tpu.memory_space<semaphore_mem>>)
      } else {
      }
      %add3A_318 = arith.constant 3 : i32
      %add3A_319 = arith.addi %mul3A_246, %add3A_318 : i32
      %dma_wait3A_320 = arith.constant 0 : i32
      %dma_wait3A_321 = tpu.memref_slice %arg6[%add3A_319, %dma_wait3A_320] : memref<80x125xi32, #tpu.memory_space<vmem>> -> memref<1x125xi32, #tpu.memory_space<vmem>>
      %dma_wait3A_322 = tpu.memref_squeeze %dma_wait3A_321 : memref<1x125xi32, #tpu.memory_space<vmem>> -> memref<125xi32, #tpu.memory_space<vmem>>
      %dma_wait3A_323 = arith.constant 0 : i32
      %dma_wait3A_324 = arith.constant 0 : i32
      %dma_wait3A_325 = tpu.memref_slice %arg2[%dma_wait3A_323, %dma_wait3A_324] : memref<40000x64xf32, #tpu.memory_space<hbm>> -> memref<40000x64xf32, #tpu.memory_space<hbm>>
      tpu.wait_indirect_dma semaphore(%arg18 : memref<!tpu.dma_semaphore, #tpu.memory_space<semaphore_mem>>) src(%dma_wait3A_325 : memref<40000x64xf32, #tpu.memory_space<hbm>>) dst(%arg12 : memref<125x64xf32, #tpu.memory_space<vmem>>)
      %dma_start3A_326 = arith.constant 0 : i32
      %dma_start3A_327 = tpu.memref_slice %arg8[%add3A_319, %dma_start3A_326] : memref<80x125xi32, #tpu.memory_space<vmem>> -> memref<1x125xi32, #tpu.memory_space<vmem>>
      %dma_start3A_328 = tpu.memref_squeeze %dma_start3A_327 : memref<1x125xi32, #tpu.memory_space<vmem>> -> memref<125xi32, #tpu.memory_space<vmem>>
      %dma_start3A_329 = arith.constant 0 : i32
      %dma_start3A_330 = arith.constant 0 : i32
      %dma_start3A_331 = tpu.memref_slice %arg14[%dma_start3A_329, %dma_start3A_330] : memref<10000x64xf32, #tpu.memory_space<vmem_shared>> -> memref<10000x64xf32, #tpu.memory_space<vmem_shared>>
      tpu.enqueue_indirect_dma source(%arg12 : memref<125x64xf32, #tpu.memory_space<vmem>>) target(%dma_start3A_331 : memref<10000x64xf32, #tpu.memory_space<vmem_shared>>) offsets(%dma_start3A_328 : memref<125xi32, #tpu.memory_space<vmem>>) semaphore(%arg22 : memref<!tpu.dma_semaphore, #tpu.memory_space<semaphore_mem>>) {add = true}
      %sub3A_332 = arith.constant 1 : i32
      %sub3A_333 = arith.subi %add3A_319, %sub3A_332 : i32
      %add3A_334 = arith.constant 4 : i32
      %add3A_335 = arith.addi %sub3A_333, %add3A_334 : i32
      %lt3A_336 = arith.constant 80 : i32
      %lt3A_337 = arith.cmpi slt, %add3A_335, %lt3A_336 : i32
      %convert_element_type3A_338 = arith.extui %lt3A_337 : i1 to i32
      %cond3A_339 = arith.constant 0 : i32
      %cond3A_340 = arith.cmpi ne, %convert_element_type3A_338, %cond3A_339 : i32
      scf.if %cond3A_340 {
        %dma_wait3A_851 = arith.constant 0 : i32
        %dma_wait3A_852 = tpu.memref_slice %arg8[%sub3A_333, %dma_wait3A_851] : memref<80x125xi32, #tpu.memory_space<vmem>> -> memref<1x125xi32, #tpu.memory_space<vmem>>
        %dma_wait3A_853 = tpu.memref_squeeze %dma_wait3A_852 : memref<1x125xi32, #tpu.memory_space<vmem>> -> memref<125xi32, #tpu.memory_space<vmem>>
        %dma_wait3A_854 = arith.constant 0 : i32
        %dma_wait3A_855 = arith.constant 0 : i32
        %dma_wait3A_856 = tpu.memref_slice %arg14[%dma_wait3A_854, %dma_wait3A_855] : memref<10000x64xf32, #tpu.memory_space<vmem_shared>> -> memref<10000x64xf32, #tpu.memory_space<vmem_shared>>
        tpu.wait_indirect_dma semaphore(%arg21 : memref<!tpu.dma_semaphore, #tpu.memory_space<semaphore_mem>>) src(%arg11 : memref<125x64xf32, #tpu.memory_space<vmem>>) dst(%dma_wait3A_856 : memref<10000x64xf32, #tpu.memory_space<vmem_shared>>)
        %add3A_857 = arith.constant 4 : i32
        %add3A_858 = arith.addi %sub3A_333, %add3A_857 : i32
        %dma_start3A_859 = arith.constant 0 : i32
        %dma_start3A_860 = tpu.memref_slice %arg6[%add3A_858, %dma_start3A_859] : memref<80x125xi32, #tpu.memory_space<vmem>> -> memref<1x125xi32, #tpu.memory_space<vmem>>
        %dma_start3A_861 = tpu.memref_squeeze %dma_start3A_860 : memref<1x125xi32, #tpu.memory_space<vmem>> -> memref<125xi32, #tpu.memory_space<vmem>>
        %dma_start3A_862 = arith.constant 0 : i32
        %dma_start3A_863 = arith.constant 0 : i32
        %dma_start3A_864 = tpu.memref_slice %arg2[%dma_start3A_862, %dma_start3A_863] : memref<40000x64xf32, #tpu.memory_space<hbm>> -> memref<40000x64xf32, #tpu.memory_space<hbm>>
        tpu.enqueue_indirect_dma source(%dma_start3A_864 : memref<40000x64xf32, #tpu.memory_space<hbm>>) target(%arg11 : memref<125x64xf32, #tpu.memory_space<vmem>>) offsets(%dma_start3A_861 : memref<125xi32, #tpu.memory_space<vmem>>) semaphore(%arg17 : memref<!tpu.dma_semaphore, #tpu.memory_space<semaphore_mem>>)
      } else {
      }
      %add3A_341 = arith.constant 0 : i32
      %add3A_342 = arith.addi %mul3A_246, %add3A_341 : i32
      %get3A = arith.index_cast %add3A_342 : i32 to index
      %get3A_343 = arith.constant 0 : index
      %get3A_344 = tpu.vector_load %arg6[%get3A, %get3A_343] {strides = array<i32>} : memref<80x125xi32, #tpu.memory_space<vmem>>, vector<1x16xi32>,
      %get3A_345 = vector.shape_cast %get3A_344 : vector<1x16xi32> to vector<16xi32>
      %add3A_346 = arith.constant 1 : i32
      %add3A_347 = vector.broadcast %add3A_346 : i32 to vector<16xi32>
      %add3A_348 = arith.addi %get3A_345, %add3A_347 : vector<16xi32>
      %add3A_349 = arith.constant 0 : i32
      %add3A_350 = arith.addi %mul3A_246, %add3A_349 : i32
      %swap3A = arith.index_cast %add3A_350 : i32 to index
      %swap3A_351 = arith.constant 0 : index
      %swap3A_352 = tpu.vector_load %arg7[%swap3A, %swap3A_351] {strides = array<i32>} : memref<80x125xi32, #tpu.memory_space<vmem>>, vector<1x16xi32>,
      %swap3A_353 = vector.shape_cast %swap3A_352 : vector<1x16xi32> to vector<16xi32>
      %swap3A_354 = vector.shape_cast %add3A_348 : vector<16xi32> to vector<1x16xi32>
      tpu.vector_store %arg7[%swap3A, %swap3A_351], %swap3A_354 {strides = array<i32>} : memref<80x125xi32, #tpu.memory_space<vmem>>, vector<1x16xi32>,
      %add3A_355 = arith.constant 0 : i32
      %add3A_356 = arith.addi %mul3A_246, %add3A_355 : i32
      %get3A_357 = arith.index_cast %add3A_356 : i32 to index
      %get3A_358 = arith.constant 16 : index
      %get3A_359 = tpu.vector_load %arg6[%get3A_357, %get3A_358] {strides = array<i32>} : memref<80x125xi32, #tpu.memory_space<vmem>>, vector<1x16xi32>,
      %get3A_360 = vector.shape_cast %get3A_359 : vector<1x16xi32> to vector<16xi32>
      %add3A_361 = arith.constant 1 : i32
      %add3A_362 = vector.broadcast %add3A_361 : i32 to vector<16xi32>
      %add3A_363 = arith.addi %get3A_360, %add3A_362 : vector<16xi32>
      %add3A_364 = arith.constant 0 : i32
      %add3A_365 = arith.addi %mul3A_246, %add3A_364 : i32
      %swap3A_366 = arith.index_cast %add3A_365 : i32 to index
      %swap3A_367 = arith.constant 16 : index
      %swap3A_368 = tpu.vector_load %arg7[%swap3A_366, %swap3A_367] {strides = array<i32>} : memref<80x125xi32, #tpu.memory_space<vmem>>, vector<1x16xi32>,
      %swap3A_369 = vector.shape_cast %swap3A_368 : vector<1x16xi32> to vector<16xi32>
      %swap3A_370 = vector.shape_cast %add3A_363 : vector<16xi32> to vector<1x16xi32>
      tpu.vector_store %arg7[%swap3A_366, %swap3A_367], %swap3A_370 {strides = array<i32>} : memref<80x125xi32, #tpu.memory_space<vmem>>, vector<1x16xi32>,
      %add3A_371 = arith.constant 0 : i32
      %add3A_372 = arith.addi %mul3A_246, %add3A_371 : i32
      %get3A_373 = arith.index_cast %add3A_372 : i32 to index
      %get3A_374 = arith.constant 32 : index
      %get3A_375 = tpu.vector_load %arg6[%get3A_373, %get3A_374] {strides = array<i32>} : memref<80x125xi32, #tpu.memory_space<vmem>>, vector<1x16xi32>,
      %get3A_376 = vector.shape_cast %get3A_375 : vector<1x16xi32> to vector<16xi32>
      %add3A_377 = arith.constant 1 : i32
      %add3A_378 = vector.broadcast %add3A_377 : i32 to vector<16xi32>
      %add3A_379 = arith.addi %get3A_376, %add3A_378 : vector<16xi32>
      %add3A_380 = arith.constant 0 : i32
      %add3A_381 = arith.addi %mul3A_246, %add3A_380 : i32
      %swap3A_382 = arith.index_cast %add3A_381 : i32 to index
      %swap3A_383 = arith.constant 32 : index
      %swap3A_384 = tpu.vector_load %arg7[%swap3A_382, %swap3A_383] {strides = array<i32>} : memref<80x125xi32, #tpu.memory_space<vmem>>, vector<1x16xi32>,
      %swap3A_385 = vector.shape_cast %swap3A_384 : vector<1x16xi32> to vector<16xi32>
      %swap3A_386 = vector.shape_cast %add3A_379 : vector<16xi32> to vector<1x16xi32>
      tpu.vector_store %arg7[%swap3A_382, %swap3A_383], %swap3A_386 {strides = array<i32>} : memref<80x125xi32, #tpu.memory_space<vmem>>, vector<1x16xi32>,
      %add3A_387 = arith.constant 0 : i32
      %add3A_388 = arith.addi %mul3A_246, %add3A_387 : i32
      %get3A_389 = arith.index_cast %add3A_388 : i32 to index
      %get3A_390 = arith.constant 48 : index
      %get3A_391 = tpu.vector_load %arg6[%get3A_389, %get3A_390] {strides = array<i32>} : memref<80x125xi32, #tpu.memory_space<vmem>>, vector<1x16xi32>,
      %get3A_392 = vector.shape_cast %get3A_391 : vector<1x16xi32> to vector<16xi32>
      %add3A_393 = arith.constant 1 : i32
      %add3A_394 = vector.broadcast %add3A_393 : i32 to vector<16xi32>
      %add3A_395 = arith.addi %get3A_392, %add3A_394 : vector<16xi32>
      %add3A_396 = arith.constant 0 : i32
      %add3A_397 = arith.addi %mul3A_246, %add3A_396 : i32
      %swap3A_398 = arith.index_cast %add3A_397 : i32 to index
      %swap3A_399 = arith.constant 48 : index
      %swap3A_400 = tpu.vector_load %arg7[%swap3A_398, %swap3A_399] {strides = array<i32>} : memref<80x125xi32, #tpu.memory_space<vmem>>, vector<1x16xi32>,
      %swap3A_401 = vector.shape_cast %swap3A_400 : vector<1x16xi32> to vector<16xi32>
      %swap3A_402 = vector.shape_cast %add3A_395 : vector<16xi32> to vector<1x16xi32>
      tpu.vector_store %arg7[%swap3A_398, %swap3A_399], %swap3A_402 {strides = array<i32>} : memref<80x125xi32, #tpu.memory_space<vmem>>, vector<1x16xi32>,
      %add3A_403 = arith.constant 0 : i32
      %add3A_404 = arith.addi %mul3A_246, %add3A_403 : i32
      %get3A_405 = arith.index_cast %add3A_404 : i32 to index
      %get3A_406 = arith.constant 64 : index
      %get3A_407 = tpu.vector_load %arg6[%get3A_405, %get3A_406] {strides = array<i32>} : memref<80x125xi32, #tpu.memory_space<vmem>>, vector<1x16xi32>,
      %get3A_408 = vector.shape_cast %get3A_407 : vector<1x16xi32> to vector<16xi32>
      %add3A_409 = arith.constant 1 : i32
      %add3A_410 = vector.broadcast %add3A_409 : i32 to vector<16xi32>
      %add3A_411 = arith.addi %get3A_408, %add3A_410 : vector<16xi32>
      %add3A_412 = arith.constant 0 : i32
      %add3A_413 = arith.addi %mul3A_246, %add3A_412 : i32
      %swap3A_414 = arith.index_cast %add3A_413 : i32 to index
      %swap3A_415 = arith.constant 64 : index
      %swap3A_416 = tpu.vector_load %arg7[%swap3A_414, %swap3A_415] {strides = array<i32>} : memref<80x125xi32, #tpu.memory_space<vmem>>, vector<1x16xi32>,
      %swap3A_417 = vector.shape_cast %swap3A_416 : vector<1x16xi32> to vector<16xi32>
      %swap3A_418 = vector.shape_cast %add3A_411 : vector<16xi32> to vector<1x16xi32>
      tpu.vector_store %arg7[%swap3A_414, %swap3A_415], %swap3A_418 {strides = array<i32>} : memref<80x125xi32, #tpu.memory_space<vmem>>, vector<1x16xi32>,
      %add3A_419 = arith.constant 0 : i32
      %add3A_420 = arith.addi %mul3A_246, %add3A_419 : i32
      %get3A_421 = arith.index_cast %add3A_420 : i32 to index
      %get3A_422 = arith.constant 80 : index
      %get3A_423 = tpu.vector_load %arg6[%get3A_421, %get3A_422] {strides = array<i32>} : memref<80x125xi32, #tpu.memory_space<vmem>>, vector<1x16xi32>,
      %get3A_424 = vector.shape_cast %get3A_423 : vector<1x16xi32> to vector<16xi32>
      %add3A_425 = arith.constant 1 : i32
      %add3A_426 = vector.broadcast %add3A_425 : i32 to vector<16xi32>
      %add3A_427 = arith.addi %get3A_424, %add3A_426 : vector<16xi32>
      %add3A_428 = arith.constant 0 : i32
      %add3A_429 = arith.addi %mul3A_246, %add3A_428 : i32
      %swap3A_430 = arith.index_cast %add3A_429 : i32 to index
      %swap3A_431 = arith.constant 80 : index
      %swap3A_432 = tpu.vector_load %arg7[%swap3A_430, %swap3A_431] {strides = array<i32>} : memref<80x125xi32, #tpu.memory_space<vmem>>, vector<1x16xi32>,
      %swap3A_433 = vector.shape_cast %swap3A_432 : vector<1x16xi32> to vector<16xi32>
      %swap3A_434 = vector.shape_cast %add3A_427 : vector<16xi32> to vector<1x16xi32>
      tpu.vector_store %arg7[%swap3A_430, %swap3A_431], %swap3A_434 {strides = array<i32>} : memref<80x125xi32, #tpu.memory_space<vmem>>, vector<1x16xi32>,
      %add3A_435 = arith.constant 0 : i32
      %add3A_436 = arith.addi %mul3A_246, %add3A_435 : i32
      %get3A_437 = arith.index_cast %add3A_436 : i32 to index
      %get3A_438 = arith.constant 96 : index
      %get3A_439 = tpu.vector_load %arg6[%get3A_437, %get3A_438] {strides = array<i32>} : memref<80x125xi32, #tpu.memory_space<vmem>>, vector<1x16xi32>,
      %get3A_440 = vector.shape_cast %get3A_439 : vector<1x16xi32> to vector<16xi32>
      %add3A_441 = arith.constant 1 : i32
      %add3A_442 = vector.broadcast %add3A_441 : i32 to vector<16xi32>
      %add3A_443 = arith.addi %get3A_440, %add3A_442 : vector<16xi32>
      %add3A_444 = arith.constant 0 : i32
      %add3A_445 = arith.addi %mul3A_246, %add3A_444 : i32
      %swap3A_446 = arith.index_cast %add3A_445 : i32 to index
      %swap3A_447 = arith.constant 96 : index
      %swap3A_448 = tpu.vector_load %arg7[%swap3A_446, %swap3A_447] {strides = array<i32>} : memref<80x125xi32, #tpu.memory_space<vmem>>, vector<1x16xi32>,
      %swap3A_449 = vector.shape_cast %swap3A_448 : vector<1x16xi32> to vector<16xi32>
      %swap3A_450 = vector.shape_cast %add3A_443 : vector<16xi32> to vector<1x16xi32>
      tpu.vector_store %arg7[%swap3A_446, %swap3A_447], %swap3A_450 {strides = array<i32>} : memref<80x125xi32, #tpu.memory_space<vmem>>, vector<1x16xi32>,
      %add3A_451 = arith.constant 0 : i32
      %add3A_452 = arith.addi %mul3A_246, %add3A_451 : i32
      %get3A_453 = arith.index_cast %add3A_452 : i32 to index
      %get3A_454 = arith.constant 109 : index
      %get3A_455 = tpu.vector_load %arg6[%get3A_453, %get3A_454] {strides = array<i32>} : memref<80x125xi32, #tpu.memory_space<vmem>>, vector<1x16xi32>,
      %get3A_456 = vector.shape_cast %get3A_455 : vector<1x16xi32> to vector<16xi32>
      %add3A_457 = arith.constant 1 : i32
      %add3A_458 = vector.broadcast %add3A_457 : i32 to vector<16xi32>
      %add3A_459 = arith.addi %get3A_456, %add3A_458 : vector<16xi32>
      %add3A_460 = arith.constant 0 : i32
      %add3A_461 = arith.addi %mul3A_246, %add3A_460 : i32
      %swap3A_462 = arith.index_cast %add3A_461 : i32 to index
      %swap3A_463 = arith.constant 109 : index
      %swap3A_464 = tpu.vector_load %arg7[%swap3A_462, %swap3A_463] {strides = array<i32>} : memref<80x125xi32, #tpu.memory_space<vmem>>, vector<1x16xi32>,
      %swap3A_465 = vector.shape_cast %swap3A_464 : vector<1x16xi32> to vector<16xi32>
      %swap3A_466 = vector.shape_cast %add3A_459 : vector<16xi32> to vector<1x16xi32>
      tpu.vector_store %arg7[%swap3A_462, %swap3A_463], %swap3A_466 {strides = array<i32>} : memref<80x125xi32, #tpu.memory_space<vmem>>, vector<1x16xi32>,
      %add3A_467 = arith.constant 1 : i32
      %add3A_468 = arith.addi %mul3A_246, %add3A_467 : i32
      %get3A_469 = arith.index_cast %add3A_468 : i32 to index
      %get3A_470 = arith.constant 0 : index
      %get3A_471 = tpu.vector_load %arg6[%get3A_469, %get3A_470] {strides = array<i32>} : memref<80x125xi32, #tpu.memory_space<vmem>>, vector<1x16xi32>,
      %get3A_472 = vector.shape_cast %get3A_471 : vector<1x16xi32> to vector<16xi32>
      %add3A_473 = arith.constant 1 : i32
      %add3A_474 = vector.broadcast %add3A_473 : i32 to vector<16xi32>
      %add3A_475 = arith.addi %get3A_472, %add3A_474 : vector<16xi32>
      %add3A_476 = arith.constant 1 : i32
      %add3A_477 = arith.addi %mul3A_246, %add3A_476 : i32
      %swap3A_478 = arith.index_cast %add3A_477 : i32 to index
      %swap3A_479 = arith.constant 0 : index
      %swap3A_480 = tpu.vector_load %arg7[%swap3A_478, %swap3A_479] {strides = array<i32>} : memref<80x125xi32, #tpu.memory_space<vmem>>, vector<1x16xi32>,
      %swap3A_481 = vector.shape_cast %swap3A_480 : vector<1x16xi32> to vector<16xi32>
      %swap3A_482 = vector.shape_cast %add3A_475 : vector<16xi32> to vector<1x16xi32>
      tpu.vector_store %arg7[%swap3A_478, %swap3A_479], %swap3A_482 {strides = array<i32>} : memref<80x125xi32, #tpu.memory_space<vmem>>, vector<1x16xi32>,
      %add3A_483 = arith.constant 1 : i32
      %add3A_484 = arith.addi %mul3A_246, %add3A_483 : i32
      %get3A_485 = arith.index_cast %add3A_484 : i32 to index
      %get3A_486 = arith.constant 16 : index
      %get3A_487 = tpu.vector_load %arg6[%get3A_485, %get3A_486] {strides = array<i32>} : memref<80x125xi32, #tpu.memory_space<vmem>>, vector<1x16xi32>,
      %get3A_488 = vector.shape_cast %get3A_487 : vector<1x16xi32> to vector<16xi32>
      %add3A_489 = arith.constant 1 : i32
      %add3A_490 = vector.broadcast %add3A_489 : i32 to vector<16xi32>
      %add3A_491 = arith.addi %get3A_488, %add3A_490 : vector<16xi32>
      %add3A_492 = arith.constant 1 : i32
      %add3A_493 = arith.addi %mul3A_246, %add3A_492 : i32
      %swap3A_494 = arith.index_cast %add3A_493 : i32 to index
      %swap3A_495 = arith.constant 16 : index
      %swap3A_496 = tpu.vector_load %arg7[%swap3A_494, %swap3A_495] {strides = array<i32>} : memref<80x125xi32, #tpu.memory_space<vmem>>, vector<1x16xi32>,
      %swap3A_497 = vector.shape_cast %swap3A_496 : vector<1x16xi32> to vector<16xi32>
      %swap3A_498 = vector.shape_cast %add3A_491 : vector<16xi32> to vector<1x16xi32>
      tpu.vector_store %arg7[%swap3A_494, %swap3A_495], %swap3A_498 {strides = array<i32>} : memref<80x125xi32, #tpu.memory_space<vmem>>, vector<1x16xi32>,
      %add3A_499 = arith.constant 1 : i32
      %add3A_500 = arith.addi %mul3A_246, %add3A_499 : i32
      %get3A_501 = arith.index_cast %add3A_500 : i32 to index
      %get3A_502 = arith.constant 32 : index
      %get3A_503 = tpu.vector_load %arg6[%get3A_501, %get3A_502] {strides = array<i32>} : memref<80x125xi32, #tpu.memory_space<vmem>>, vector<1x16xi32>,
      %get3A_504 = vector.shape_cast %get3A_503 : vector<1x16xi32> to vector<16xi32>
      %add3A_505 = arith.constant 1 : i32
      %add3A_506 = vector.broadcast %add3A_505 : i32 to vector<16xi32>
      %add3A_507 = arith.addi %get3A_504, %add3A_506 : vector<16xi32>
      %add3A_508 = arith.constant 1 : i32
      %add3A_509 = arith.addi %mul3A_246, %add3A_508 : i32
      %swap3A_510 = arith.index_cast %add3A_509 : i32 to index
      %swap3A_511 = arith.constant 32 : index
      %swap3A_512 = tpu.vector_load %arg7[%swap3A_510, %swap3A_511] {strides = array<i32>} : memref<80x125xi32, #tpu.memory_space<vmem>>, vector<1x16xi32>,
      %swap3A_513 = vector.shape_cast %swap3A_512 : vector<1x16xi32> to vector<16xi32>
      %swap3A_514 = vector.shape_cast %add3A_507 : vector<16xi32> to vector<1x16xi32>
      tpu.vector_store %arg7[%swap3A_510, %swap3A_511], %swap3A_514 {strides = array<i32>} : memref<80x125xi32, #tpu.memory_space<vmem>>, vector<1x16xi32>,
      %add3A_515 = arith.constant 1 : i32
      %add3A_516 = arith.addi %mul3A_246, %add3A_515 : i32
      %get3A_517 = arith.index_cast %add3A_516 : i32 to index
      %get3A_518 = arith.constant 48 : index
      %get3A_519 = tpu.vector_load %arg6[%get3A_517, %get3A_518] {strides = array<i32>} : memref<80x125xi32, #tpu.memory_space<vmem>>, vector<1x16xi32>,
      %get3A_520 = vector.shape_cast %get3A_519 : vector<1x16xi32> to vector<16xi32>
      %add3A_521 = arith.constant 1 : i32
      %add3A_522 = vector.broadcast %add3A_521 : i32 to vector<16xi32>
      %add3A_523 = arith.addi %get3A_520, %add3A_522 : vector<16xi32>
      %add3A_524 = arith.constant 1 : i32
      %add3A_525 = arith.addi %mul3A_246, %add3A_524 : i32
      %swap3A_526 = arith.index_cast %add3A_525 : i32 to index
      %swap3A_527 = arith.constant 48 : index
      %swap3A_528 = tpu.vector_load %arg7[%swap3A_526, %swap3A_527] {strides = array<i32>} : memref<80x125xi32, #tpu.memory_space<vmem>>, vector<1x16xi32>,
      %swap3A_529 = vector.shape_cast %swap3A_528 : vector<1x16xi32> to vector<16xi32>
      %swap3A_530 = vector.shape_cast %add3A_523 : vector<16xi32> to vector<1x16xi32>
      tpu.vector_store %arg7[%swap3A_526, %swap3A_527], %swap3A_530 {strides = array<i32>} : memref<80x125xi32, #tpu.memory_space<vmem>>, vector<1x16xi32>,
      %add3A_531 = arith.constant 1 : i32
      %add3A_532 = arith.addi %mul3A_246, %add3A_531 : i32
      %get3A_533 = arith.index_cast %add3A_532 : i32 to index
      %get3A_534 = arith.constant 64 : index
      %get3A_535 = tpu.vector_load %arg6[%get3A_533, %get3A_534] {strides = array<i32>} : memref<80x125xi32, #tpu.memory_space<vmem>>, vector<1x16xi32>,
      %get3A_536 = vector.shape_cast %get3A_535 : vector<1x16xi32> to vector<16xi32>
      %add3A_537 = arith.constant 1 : i32
      %add3A_538 = vector.broadcast %add3A_537 : i32 to vector<16xi32>
      %add3A_539 = arith.addi %get3A_536, %add3A_538 : vector<16xi32>
      %add3A_540 = arith.constant 1 : i32
      %add3A_541 = arith.addi %mul3A_246, %add3A_540 : i32
      %swap3A_542 = arith.index_cast %add3A_541 : i32 to index
      %swap3A_543 = arith.constant 64 : index
      %swap3A_544 = tpu.vector_load %arg7[%swap3A_542, %swap3A_543] {strides = array<i32>} : memref<80x125xi32, #tpu.memory_space<vmem>>, vector<1x16xi32>,
      %swap3A_545 = vector.shape_cast %swap3A_544 : vector<1x16xi32> to vector<16xi32>
      %swap3A_546 = vector.shape_cast %add3A_539 : vector<16xi32> to vector<1x16xi32>
      tpu.vector_store %arg7[%swap3A_542, %swap3A_543], %swap3A_546 {strides = array<i32>} : memref<80x125xi32, #tpu.memory_space<vmem>>, vector<1x16xi32>,
      %add3A_547 = arith.constant 1 : i32
      %add3A_548 = arith.addi %mul3A_246, %add3A_547 : i32
      %get3A_549 = arith.index_cast %add3A_548 : i32 to index
      %get3A_550 = arith.constant 80 : index
      %get3A_551 = tpu.vector_load %arg6[%get3A_549, %get3A_550] {strides = array<i32>} : memref<80x125xi32, #tpu.memory_space<vmem>>, vector<1x16xi32>,
      %get3A_552 = vector.shape_cast %get3A_551 : vector<1x16xi32> to vector<16xi32>
      %add3A_553 = arith.constant 1 : i32
      %add3A_554 = vector.broadcast %add3A_553 : i32 to vector<16xi32>
      %add3A_555 = arith.addi %get3A_552, %add3A_554 : vector<16xi32>
      %add3A_556 = arith.constant 1 : i32
      %add3A_557 = arith.addi %mul3A_246, %add3A_556 : i32
      %swap3A_558 = arith.index_cast %add3A_557 : i32 to index
      %swap3A_559 = arith.constant 80 : index
      %swap3A_560 = tpu.vector_load %arg7[%swap3A_558, %swap3A_559] {strides = array<i32>} : memref<80x125xi32, #tpu.memory_space<vmem>>, vector<1x16xi32>,
      %swap3A_561 = vector.shape_cast %swap3A_560 : vector<1x16xi32> to vector<16xi32>
      %swap3A_562 = vector.shape_cast %add3A_555 : vector<16xi32> to vector<1x16xi32>
      tpu.vector_store %arg7[%swap3A_558, %swap3A_559], %swap3A_562 {strides = array<i32>} : memref<80x125xi32, #tpu.memory_space<vmem>>, vector<1x16xi32>,
      %add3A_563 = arith.constant 1 : i32
      %add3A_564 = arith.addi %mul3A_246, %add3A_563 : i32
      %get3A_565 = arith.index_cast %add3A_564 : i32 to index
      %get3A_566 = arith.constant 96 : index
      %get3A_567 = tpu.vector_load %arg6[%get3A_565, %get3A_566] {strides = array<i32>} : memref<80x125xi32, #tpu.memory_space<vmem>>, vector<1x16xi32>,
      %get3A_568 = vector.shape_cast %get3A_567 : vector<1x16xi32> to vector<16xi32>
      %add3A_569 = arith.constant 1 : i32
      %add3A_570 = vector.broadcast %add3A_569 : i32 to vector<16xi32>
      %add3A_571 = arith.addi %get3A_568, %add3A_570 : vector<16xi32>
      %add3A_572 = arith.constant 1 : i32
      %add3A_573 = arith.addi %mul3A_246, %add3A_572 : i32
      %swap3A_574 = arith.index_cast %add3A_573 : i32 to index
      %swap3A_575 = arith.constant 96 : index
      %swap3A_576 = tpu.vector_load %arg7[%swap3A_574, %swap3A_575] {strides = array<i32>} : memref<80x125xi32, #tpu.memory_space<vmem>>, vector<1x16xi32>,
      %swap3A_577 = vector.shape_cast %swap3A_576 : vector<1x16xi32> to vector<16xi32>
      %swap3A_578 = vector.shape_cast %add3A_571 : vector<16xi32> to vector<1x16xi32>
      tpu.vector_store %arg7[%swap3A_574, %swap3A_575], %swap3A_578 {strides = array<i32>} : memref<80x125xi32, #tpu.memory_space<vmem>>, vector<1x16xi32>,
      %add3A_579 = arith.constant 1 : i32
      %add3A_580 = arith.addi %mul3A_246, %add3A_579 : i32
      %get3A_581 = arith.index_cast %add3A_580 : i32 to index
      %get3A_582 = arith.constant 109 : index
      %get3A_583 = tpu.vector_load %arg6[%get3A_581, %get3A_582] {strides = array<i32>} : memref<80x125xi32, #tpu.memory_space<vmem>>, vector<1x16xi32>,
      %get3A_584 = vector.shape_cast %get3A_583 : vector<1x16xi32> to vector<16xi32>
      %add3A_585 = arith.constant 1 : i32
      %add3A_586 = vector.broadcast %add3A_585 : i32 to vector<16xi32>
      %add3A_587 = arith.addi %get3A_584, %add3A_586 : vector<16xi32>
      %add3A_588 = arith.constant 1 : i32
      %add3A_589 = arith.addi %mul3A_246, %add3A_588 : i32
      %swap3A_590 = arith.index_cast %add3A_589 : i32 to index
      %swap3A_591 = arith.constant 109 : index
      %swap3A_592 = tpu.vector_load %arg7[%swap3A_590, %swap3A_591] {strides = array<i32>} : memref<80x125xi32, #tpu.memory_space<vmem>>, vector<1x16xi32>,
      %swap3A_593 = vector.shape_cast %swap3A_592 : vector<1x16xi32> to vector<16xi32>
      %swap3A_594 = vector.shape_cast %add3A_587 : vector<16xi32> to vector<1x16xi32>
      tpu.vector_store %arg7[%swap3A_590, %swap3A_591], %swap3A_594 {strides = array<i32>} : memref<80x125xi32, #tpu.memory_space<vmem>>, vector<1x16xi32>,
      %add3A_595 = arith.constant 2 : i32
      %add3A_596 = arith.addi %mul3A_246, %add3A_595 : i32
      %get3A_597 = arith.index_cast %add3A_596 : i32 to index
      %get3A_598 = arith.constant 0 : index
      %get3A_599 = tpu.vector_load %arg6[%get3A_597, %get3A_598] {strides = array<i32>} : memref<80x125xi32, #tpu.memory_space<vmem>>, vector<1x16xi32>,
      %get3A_600 = vector.shape_cast %get3A_599 : vector<1x16xi32> to vector<16xi32>
      %add3A_601 = arith.constant 1 : i32
      %add3A_602 = vector.broadcast %add3A_601 : i32 to vector<16xi32>
      %add3A_603 = arith.addi %get3A_600, %add3A_602 : vector<16xi32>
      %add3A_604 = arith.constant 2 : i32
      %add3A_605 = arith.addi %mul3A_246, %add3A_604 : i32
      %swap3A_606 = arith.index_cast %add3A_605 : i32 to index
      %swap3A_607 = arith.constant 0 : index
      %swap3A_608 = tpu.vector_load %arg7[%swap3A_606, %swap3A_607] {strides = array<i32>} : memref<80x125xi32, #tpu.memory_space<vmem>>, vector<1x16xi32>,
      %swap3A_609 = vector.shape_cast %swap3A_608 : vector<1x16xi32> to vector<16xi32>
      %swap3A_610 = vector.shape_cast %add3A_603 : vector<16xi32> to vector<1x16xi32>
      tpu.vector_store %arg7[%swap3A_606, %swap3A_607], %swap3A_610 {strides = array<i32>} : memref<80x125xi32, #tpu.memory_space<vmem>>, vector<1x16xi32>,
      %add3A_611 = arith.constant 2 : i32
      %add3A_612 = arith.addi %mul3A_246, %add3A_611 : i32
      %get3A_613 = arith.index_cast %add3A_612 : i32 to index
      %get3A_614 = arith.constant 16 : index
      %get3A_615 = tpu.vector_load %arg6[%get3A_613, %get3A_614] {strides = array<i32>} : memref<80x125xi32, #tpu.memory_space<vmem>>, vector<1x16xi32>,
      %get3A_616 = vector.shape_cast %get3A_615 : vector<1x16xi32> to vector<16xi32>
      %add3A_617 = arith.constant 1 : i32
      %add3A_618 = vector.broadcast %add3A_617 : i32 to vector<16xi32>
      %add3A_619 = arith.addi %get3A_616, %add3A_618 : vector<16xi32>
      %add3A_620 = arith.constant 2 : i32
      %add3A_621 = arith.addi %mul3A_246, %add3A_620 : i32
      %swap3A_622 = arith.index_cast %add3A_621 : i32 to index
      %swap3A_623 = arith.constant 16 : index
      %swap3A_624 = tpu.vector_load %arg7[%swap3A_622, %swap3A_623] {strides = array<i32>} : memref<80x125xi32, #tpu.memory_space<vmem>>, vector<1x16xi32>,
      %swap3A_625 = vector.shape_cast %swap3A_624 : vector<1x16xi32> to vector<16xi32>
      %swap3A_626 = vector.shape_cast %add3A_619 : vector<16xi32> to vector<1x16xi32>
      tpu.vector_store %arg7[%swap3A_622, %swap3A_623], %swap3A_626 {strides = array<i32>} : memref<80x125xi32, #tpu.memory_space<vmem>>, vector<1x16xi32>,
      %add3A_627 = arith.constant 2 : i32
      %add3A_628 = arith.addi %mul3A_246, %add3A_627 : i32
      %get3A_629 = arith.index_cast %add3A_628 : i32 to index
      %get3A_630 = arith.constant 32 : index
      %get3A_631 = tpu.vector_load %arg6[%get3A_629, %get3A_630] {strides = array<i32>} : memref<80x125xi32, #tpu.memory_space<vmem>>, vector<1x16xi32>,
      %get3A_632 = vector.shape_cast %get3A_631 : vector<1x16xi32> to vector<16xi32>
      %add3A_633 = arith.constant 1 : i32
      %add3A_634 = vector.broadcast %add3A_633 : i32 to vector<16xi32>
      %add3A_635 = arith.addi %get3A_632, %add3A_634 : vector<16xi32>
      %add3A_636 = arith.constant 2 : i32
      %add3A_637 = arith.addi %mul3A_246, %add3A_636 : i32
      %swap3A_638 = arith.index_cast %add3A_637 : i32 to index
      %swap3A_639 = arith.constant 32 : index
      %swap3A_640 = tpu.vector_load %arg7[%swap3A_638, %swap3A_639] {strides = array<i32>} : memref<80x125xi32, #tpu.memory_space<vmem>>, vector<1x16xi32>,
      %swap3A_641 = vector.shape_cast %swap3A_640 : vector<1x16xi32> to vector<16xi32>
      %swap3A_642 = vector.shape_cast %add3A_635 : vector<16xi32> to vector<1x16xi32>
      tpu.vector_store %arg7[%swap3A_638, %swap3A_639], %swap3A_642 {strides = array<i32>} : memref<80x125xi32, #tpu.memory_space<vmem>>, vector<1x16xi32>,
      %add3A_643 = arith.constant 2 : i32
      %add3A_644 = arith.addi %mul3A_246, %add3A_643 : i32
      %get3A_645 = arith.index_cast %add3A_644 : i32 to index
      %get3A_646 = arith.constant 48 : index
      %get3A_647 = tpu.vector_load %arg6[%get3A_645, %get3A_646] {strides = array<i32>} : memref<80x125xi32, #tpu.memory_space<vmem>>, vector<1x16xi32>,
      %get3A_648 = vector.shape_cast %get3A_647 : vector<1x16xi32> to vector<16xi32>
      %add3A_649 = arith.constant 1 : i32
      %add3A_650 = vector.broadcast %add3A_649 : i32 to vector<16xi32>
      %add3A_651 = arith.addi %get3A_648, %add3A_650 : vector<16xi32>
      %add3A_652 = arith.constant 2 : i32
      %add3A_653 = arith.addi %mul3A_246, %add3A_652 : i32
      %swap3A_654 = arith.index_cast %add3A_653 : i32 to index
      %swap3A_655 = arith.constant 48 : index
      %swap3A_656 = tpu.vector_load %arg7[%swap3A_654, %swap3A_655] {strides = array<i32>} : memref<80x125xi32, #tpu.memory_space<vmem>>, vector<1x16xi32>,
      %swap3A_657 = vector.shape_cast %swap3A_656 : vector<1x16xi32> to vector<16xi32>
      %swap3A_658 = vector.shape_cast %add3A_651 : vector<16xi32> to vector<1x16xi32>
      tpu.vector_store %arg7[%swap3A_654, %swap3A_655], %swap3A_658 {strides = array<i32>} : memref<80x125xi32, #tpu.memory_space<vmem>>, vector<1x16xi32>,
      %add3A_659 = arith.constant 2 : i32
      %add3A_660 = arith.addi %mul3A_246, %add3A_659 : i32
      %get3A_661 = arith.index_cast %add3A_660 : i32 to index
      %get3A_662 = arith.constant 64 : index
      %get3A_663 = tpu.vector_load %arg6[%get3A_661, %get3A_662] {strides = array<i32>} : memref<80x125xi32, #tpu.memory_space<vmem>>, vector<1x16xi32>,
      %get3A_664 = vector.shape_cast %get3A_663 : vector<1x16xi32> to vector<16xi32>
      %add3A_665 = arith.constant 1 : i32
      %add3A_666 = vector.broadcast %add3A_665 : i32 to vector<16xi32>
      %add3A_667 = arith.addi %get3A_664, %add3A_666 : vector<16xi32>
      %add3A_668 = arith.constant 2 : i32
      %add3A_669 = arith.addi %mul3A_246, %add3A_668 : i32
      %swap3A_670 = arith.index_cast %add3A_669 : i32 to index
      %swap3A_671 = arith.constant 64 : index
      %swap3A_672 = tpu.vector_load %arg7[%swap3A_670, %swap3A_671] {strides = array<i32>} : memref<80x125xi32, #tpu.memory_space<vmem>>, vector<1x16xi32>,
      %swap3A_673 = vector.shape_cast %swap3A_672 : vector<1x16xi32> to vector<16xi32>
      %swap3A_674 = vector.shape_cast %add3A_667 : vector<16xi32> to vector<1x16xi32>
      tpu.vector_store %arg7[%swap3A_670, %swap3A_671], %swap3A_674 {strides = array<i32>} : memref<80x125xi32, #tpu.memory_space<vmem>>, vector<1x16xi32>,
      %add3A_675 = arith.constant 2 : i32
      %add3A_676 = arith.addi %mul3A_246, %add3A_675 : i32
      %get3A_677 = arith.index_cast %add3A_676 : i32 to index
      %get3A_678 = arith.constant 80 : index
      %get3A_679 = tpu.vector_load %arg6[%get3A_677, %get3A_678] {strides = array<i32>} : memref<80x125xi32, #tpu.memory_space<vmem>>, vector<1x16xi32>,
      %get3A_680 = vector.shape_cast %get3A_679 : vector<1x16xi32> to vector<16xi32>
      %add3A_681 = arith.constant 1 : i32
      %add3A_682 = vector.broadcast %add3A_681 : i32 to vector<16xi32>
      %add3A_683 = arith.addi %get3A_680, %add3A_682 : vector<16xi32>
      %add3A_684 = arith.constant 2 : i32
      %add3A_685 = arith.addi %mul3A_246, %add3A_684 : i32
      %swap3A_686 = arith.index_cast %add3A_685 : i32 to index
      %swap3A_687 = arith.constant 80 : index
      %swap3A_688 = tpu.vector_load %arg7[%swap3A_686, %swap3A_687] {strides = array<i32>} : memref<80x125xi32, #tpu.memory_space<vmem>>, vector<1x16xi32>,
      %swap3A_689 = vector.shape_cast %swap3A_688 : vector<1x16xi32> to vector<16xi32>
      %swap3A_690 = vector.shape_cast %add3A_683 : vector<16xi32> to vector<1x16xi32>
      tpu.vector_store %arg7[%swap3A_686, %swap3A_687], %swap3A_690 {strides = array<i32>} : memref<80x125xi32, #tpu.memory_space<vmem>>, vector<1x16xi32>,
      %add3A_691 = arith.constant 2 : i32
      %add3A_692 = arith.addi %mul3A_246, %add3A_691 : i32
      %get3A_693 = arith.index_cast %add3A_692 : i32 to index
      %get3A_694 = arith.constant 96 : index
      %get3A_695 = tpu.vector_load %arg6[%get3A_693, %get3A_694] {strides = array<i32>} : memref<80x125xi32, #tpu.memory_space<vmem>>, vector<1x16xi32>,
      %get3A_696 = vector.shape_cast %get3A_695 : vector<1x16xi32> to vector<16xi32>
      %add3A_697 = arith.constant 1 : i32
      %add3A_698 = vector.broadcast %add3A_697 : i32 to vector<16xi32>
      %add3A_699 = arith.addi %get3A_696, %add3A_698 : vector<16xi32>
      %add3A_700 = arith.constant 2 : i32
      %add3A_701 = arith.addi %mul3A_246, %add3A_700 : i32
      %swap3A_702 = arith.index_cast %add3A_701 : i32 to index
      %swap3A_703 = arith.constant 96 : index
      %swap3A_704 = tpu.vector_load %arg7[%swap3A_702, %swap3A_703] {strides = array<i32>} : memref<80x125xi32, #tpu.memory_space<vmem>>, vector<1x16xi32>,
      %swap3A_705 = vector.shape_cast %swap3A_704 : vector<1x16xi32> to vector<16xi32>
      %swap3A_706 = vector.shape_cast %add3A_699 : vector<16xi32> to vector<1x16xi32>
      tpu.vector_store %arg7[%swap3A_702, %swap3A_703], %swap3A_706 {strides = array<i32>} : memref<80x125xi32, #tpu.memory_space<vmem>>, vector<1x16xi32>,
      %add3A_707 = arith.constant 2 : i32
      %add3A_708 = arith.addi %mul3A_246, %add3A_707 : i32
      %get3A_709 = arith.index_cast %add3A_708 : i32 to index
      %get3A_710 = arith.constant 109 : index
      %get3A_711 = tpu.vector_load %arg6[%get3A_709, %get3A_710] {strides = array<i32>} : memref<80x125xi32, #tpu.memory_space<vmem>>, vector<1x16xi32>,
      %get3A_712 = vector.shape_cast %get3A_711 : vector<1x16xi32> to vector<16xi32>
      %add3A_713 = arith.constant 1 : i32
      %add3A_714 = vector.broadcast %add3A_713 : i32 to vector<16xi32>
      %add3A_715 = arith.addi %get3A_712, %add3A_714 : vector<16xi32>
      %add3A_716 = arith.constant 2 : i32
      %add3A_717 = arith.addi %mul3A_246, %add3A_716 : i32
      %swap3A_718 = arith.index_cast %add3A_717 : i32 to index
      %swap3A_719 = arith.constant 109 : index
      %swap3A_720 = tpu.vector_load %arg7[%swap3A_718, %swap3A_719] {strides = array<i32>} : memref<80x125xi32, #tpu.memory_space<vmem>>, vector<1x16xi32>,
      %swap3A_721 = vector.shape_cast %swap3A_720 : vector<1x16xi32> to vector<16xi32>
      %swap3A_722 = vector.shape_cast %add3A_715 : vector<16xi32> to vector<1x16xi32>
      tpu.vector_store %arg7[%swap3A_718, %swap3A_719], %swap3A_722 {strides = array<i32>} : memref<80x125xi32, #tpu.memory_space<vmem>>, vector<1x16xi32>,
      %add3A_723 = arith.constant 3 : i32
      %add3A_724 = arith.addi %mul3A_246, %add3A_723 : i32
      %get3A_725 = arith.index_cast %add3A_724 : i32 to index
      %get3A_726 = arith.constant 0 : index
      %get3A_727 = tpu.vector_load %arg6[%get3A_725, %get3A_726] {strides = array<i32>} : memref<80x125xi32, #tpu.memory_space<vmem>>, vector<1x16xi32>,
      %get3A_728 = vector.shape_cast %get3A_727 : vector<1x16xi32> to vector<16xi32>
      %add3A_729 = arith.constant 1 : i32
      %add3A_730 = vector.broadcast %add3A_729 : i32 to vector<16xi32>
      %add3A_731 = arith.addi %get3A_728, %add3A_730 : vector<16xi32>
      %add3A_732 = arith.constant 3 : i32
      %add3A_733 = arith.addi %mul3A_246, %add3A_732 : i32
      %swap3A_734 = arith.index_cast %add3A_733 : i32 to index
      %swap3A_735 = arith.constant 0 : index
      %swap3A_736 = tpu.vector_load %arg7[%swap3A_734, %swap3A_735] {strides = array<i32>} : memref<80x125xi32, #tpu.memory_space<vmem>>, vector<1x16xi32>,
      %swap3A_737 = vector.shape_cast %swap3A_736 : vector<1x16xi32> to vector<16xi32>
      %swap3A_738 = vector.shape_cast %add3A_731 : vector<16xi32> to vector<1x16xi32>
      tpu.vector_store %arg7[%swap3A_734, %swap3A_735], %swap3A_738 {strides = array<i32>} : memref<80x125xi32, #tpu.memory_space<vmem>>, vector<1x16xi32>,
      %add3A_739 = arith.constant 3 : i32
      %add3A_740 = arith.addi %mul3A_246, %add3A_739 : i32
      %get3A_741 = arith.index_cast %add3A_740 : i32 to index
      %get3A_742 = arith.constant 16 : index
      %get3A_743 = tpu.vector_load %arg6[%get3A_741, %get3A_742] {strides = array<i32>} : memref<80x125xi32, #tpu.memory_space<vmem>>, vector<1x16xi32>,
      %get3A_744 = vector.shape_cast %get3A_743 : vector<1x16xi32> to vector<16xi32>
      %add3A_745 = arith.constant 1 : i32
      %add3A_746 = vector.broadcast %add3A_745 : i32 to vector<16xi32>
      %add3A_747 = arith.addi %get3A_744, %add3A_746 : vector<16xi32>
      %add3A_748 = arith.constant 3 : i32
      %add3A_749 = arith.addi %mul3A_246, %add3A_748 : i32
      %swap3A_750 = arith.index_cast %add3A_749 : i32 to index
      %swap3A_751 = arith.constant 16 : index
      %swap3A_752 = tpu.vector_load %arg7[%swap3A_750, %swap3A_751] {strides = array<i32>} : memref<80x125xi32, #tpu.memory_space<vmem>>, vector<1x16xi32>,
      %swap3A_753 = vector.shape_cast %swap3A_752 : vector<1x16xi32> to vector<16xi32>
      %swap3A_754 = vector.shape_cast %add3A_747 : vector<16xi32> to vector<1x16xi32>
      tpu.vector_store %arg7[%swap3A_750, %swap3A_751], %swap3A_754 {strides = array<i32>} : memref<80x125xi32, #tpu.memory_space<vmem>>, vector<1x16xi32>,
      %add3A_755 = arith.constant 3 : i32
      %add3A_756 = arith.addi %mul3A_246, %add3A_755 : i32
      %get3A_757 = arith.index_cast %add3A_756 : i32 to index
      %get3A_758 = arith.constant 32 : index
      %get3A_759 = tpu.vector_load %arg6[%get3A_757, %get3A_758] {strides = array<i32>} : memref<80x125xi32, #tpu.memory_space<vmem>>, vector<1x16xi32>,
      %get3A_760 = vector.shape_cast %get3A_759 : vector<1x16xi32> to vector<16xi32>
      %add3A_761 = arith.constant 1 : i32
      %add3A_762 = vector.broadcast %add3A_761 : i32 to vector<16xi32>
      %add3A_763 = arith.addi %get3A_760, %add3A_762 : vector<16xi32>
      %add3A_764 = arith.constant 3 : i32
      %add3A_765 = arith.addi %mul3A_246, %add3A_764 : i32
      %swap3A_766 = arith.index_cast %add3A_765 : i32 to index
      %swap3A_767 = arith.constant 32 : index
      %swap3A_768 = tpu.vector_load %arg7[%swap3A_766, %swap3A_767] {strides = array<i32>} : memref<80x125xi32, #tpu.memory_space<vmem>>, vector<1x16xi32>,
      %swap3A_769 = vector.shape_cast %swap3A_768 : vector<1x16xi32> to vector<16xi32>
      %swap3A_770 = vector.shape_cast %add3A_763 : vector<16xi32> to vector<1x16xi32>
      tpu.vector_store %arg7[%swap3A_766, %swap3A_767], %swap3A_770 {strides = array<i32>} : memref<80x125xi32, #tpu.memory_space<vmem>>, vector<1x16xi32>,
      %add3A_771 = arith.constant 3 : i32
      %add3A_772 = arith.addi %mul3A_246, %add3A_771 : i32
      %get3A_773 = arith.index_cast %add3A_772 : i32 to index
      %get3A_774 = arith.constant 48 : index
      %get3A_775 = tpu.vector_load %arg6[%get3A_773, %get3A_774] {strides = array<i32>} : memref<80x125xi32, #tpu.memory_space<vmem>>, vector<1x16xi32>,
      %get3A_776 = vector.shape_cast %get3A_775 : vector<1x16xi32> to vector<16xi32>
      %add3A_777 = arith.constant 1 : i32
      %add3A_778 = vector.broadcast %add3A_777 : i32 to vector<16xi32>
      %add3A_779 = arith.addi %get3A_776, %add3A_778 : vector<16xi32>
      %add3A_780 = arith.constant 3 : i32
      %add3A_781 = arith.addi %mul3A_246, %add3A_780 : i32
      %swap3A_782 = arith.index_cast %add3A_781 : i32 to index
      %swap3A_783 = arith.constant 48 : index
      %swap3A_784 = tpu.vector_load %arg7[%swap3A_782, %swap3A_783] {strides = array<i32>} : memref<80x125xi32, #tpu.memory_space<vmem>>, vector<1x16xi32>,
      %swap3A_785 = vector.shape_cast %swap3A_784 : vector<1x16xi32> to vector<16xi32>
      %swap3A_786 = vector.shape_cast %add3A_779 : vector<16xi32> to vector<1x16xi32>
      tpu.vector_store %arg7[%swap3A_782, %swap3A_783], %swap3A_786 {strides = array<i32>} : memref<80x125xi32, #tpu.memory_space<vmem>>, vector<1x16xi32>,
      %add3A_787 = arith.constant 3 : i32
      %add3A_788 = arith.addi %mul3A_246, %add3A_787 : i32
      %get3A_789 = arith.index_cast %add3A_788 : i32 to index
      %get3A_790 = arith.constant 64 : index
      %get3A_791 = tpu.vector_load %arg6[%get3A_789, %get3A_790] {strides = array<i32>} : memref<80x125xi32, #tpu.memory_space<vmem>>, vector<1x16xi32>,
      %get3A_792 = vector.shape_cast %get3A_791 : vector<1x16xi32> to vector<16xi32>
      %add3A_793 = arith.constant 1 : i32
      %add3A_794 = vector.broadcast %add3A_793 : i32 to vector<16xi32>
      %add3A_795 = arith.addi %get3A_792, %add3A_794 : vector<16xi32>
      %add3A_796 = arith.constant 3 : i32
      %add3A_797 = arith.addi %mul3A_246, %add3A_796 : i32
      %swap3A_798 = arith.index_cast %add3A_797 : i32 to index
      %swap3A_799 = arith.constant 64 : index
      %swap3A_800 = tpu.vector_load %arg7[%swap3A_798, %swap3A_799] {strides = array<i32>} : memref<80x125xi32, #tpu.memory_space<vmem>>, vector<1x16xi32>,
      %swap3A_801 = vector.shape_cast %swap3A_800 : vector<1x16xi32> to vector<16xi32>
      %swap3A_802 = vector.shape_cast %add3A_795 : vector<16xi32> to vector<1x16xi32>
      tpu.vector_store %arg7[%swap3A_798, %swap3A_799], %swap3A_802 {strides = array<i32>} : memref<80x125xi32, #tpu.memory_space<vmem>>, vector<1x16xi32>,
      %add3A_803 = arith.constant 3 : i32
      %add3A_804 = arith.addi %mul3A_246, %add3A_803 : i32
      %get3A_805 = arith.index_cast %add3A_804 : i32 to index
      %get3A_806 = arith.constant 80 : index
      %get3A_807 = tpu.vector_load %arg6[%get3A_805, %get3A_806] {strides = array<i32>} : memref<80x125xi32, #tpu.memory_space<vmem>>, vector<1x16xi32>,
      %get3A_808 = vector.shape_cast %get3A_807 : vector<1x16xi32> to vector<16xi32>
      %add3A_809 = arith.constant 1 : i32
      %add3A_810 = vector.broadcast %add3A_809 : i32 to vector<16xi32>
      %add3A_811 = arith.addi %get3A_808, %add3A_810 : vector<16xi32>
      %add3A_812 = arith.constant 3 : i32
      %add3A_813 = arith.addi %mul3A_246, %add3A_812 : i32
      %swap3A_814 = arith.index_cast %add3A_813 : i32 to index
      %swap3A_815 = arith.constant 80 : index
      %swap3A_816 = tpu.vector_load %arg7[%swap3A_814, %swap3A_815] {strides = array<i32>} : memref<80x125xi32, #tpu.memory_space<vmem>>, vector<1x16xi32>,
      %swap3A_817 = vector.shape_cast %swap3A_816 : vector<1x16xi32> to vector<16xi32>
      %swap3A_818 = vector.shape_cast %add3A_811 : vector<16xi32> to vector<1x16xi32>
      tpu.vector_store %arg7[%swap3A_814, %swap3A_815], %swap3A_818 {strides = array<i32>} : memref<80x125xi32, #tpu.memory_space<vmem>>, vector<1x16xi32>,
      %add3A_819 = arith.constant 3 : i32
      %add3A_820 = arith.addi %mul3A_246, %add3A_819 : i32
      %get3A_821 = arith.index_cast %add3A_820 : i32 to index
      %get3A_822 = arith.constant 96 : index
      %get3A_823 = tpu.vector_load %arg6[%get3A_821, %get3A_822] {strides = array<i32>} : memref<80x125xi32, #tpu.memory_space<vmem>>, vector<1x16xi32>,
      %get3A_824 = vector.shape_cast %get3A_823 : vector<1x16xi32> to vector<16xi32>
      %add3A_825 = arith.constant 1 : i32
      %add3A_826 = vector.broadcast %add3A_825 : i32 to vector<16xi32>
      %add3A_827 = arith.addi %get3A_824, %add3A_826 : vector<16xi32>
      %add3A_828 = arith.constant 3 : i32
      %add3A_829 = arith.addi %mul3A_246, %add3A_828 : i32
      %swap3A_830 = arith.index_cast %add3A_829 : i32 to index
      %swap3A_831 = arith.constant 96 : index
      %swap3A_832 = tpu.vector_load %arg7[%swap3A_830, %swap3A_831] {strides = array<i32>} : memref<80x125xi32, #tpu.memory_space<vmem>>, vector<1x16xi32>,
      %swap3A_833 = vector.shape_cast %swap3A_832 : vector<1x16xi32> to vector<16xi32>
      %swap3A_834 = vector.shape_cast %add3A_827 : vector<16xi32> to vector<1x16xi32>
      tpu.vector_store %arg7[%swap3A_830, %swap3A_831], %swap3A_834 {strides = array<i32>} : memref<80x125xi32, #tpu.memory_space<vmem>>, vector<1x16xi32>,
      %add3A_835 = arith.constant 3 : i32
      %add3A_836 = arith.addi %mul3A_246, %add3A_835 : i32
      %get3A_837 = arith.index_cast %add3A_836 : i32 to index
      %get3A_838 = arith.constant 109 : index
      %get3A_839 = tpu.vector_load %arg6[%get3A_837, %get3A_838] {strides = array<i32>} : memref<80x125xi32, #tpu.memory_space<vmem>>, vector<1x16xi32>,
      %get3A_840 = vector.shape_cast %get3A_839 : vector<1x16xi32> to vector<16xi32>
      %add3A_841 = arith.constant 1 : i32
      %add3A_842 = vector.broadcast %add3A_841 : i32 to vector<16xi32>
      %add3A_843 = arith.addi %get3A_840, %add3A_842 : vector<16xi32>
      %add3A_844 = arith.constant 3 : i32
      %add3A_845 = arith.addi %mul3A_246, %add3A_844 : i32
      %swap3A_846 = arith.index_cast %add3A_845 : i32 to index
      %swap3A_847 = arith.constant 109 : index
      %swap3A_848 = tpu.vector_load %arg7[%swap3A_846, %swap3A_847] {strides = array<i32>} : memref<80x125xi32, #tpu.memory_space<vmem>>, vector<1x16xi32>,
      %swap3A_849 = vector.shape_cast %swap3A_848 : vector<1x16xi32> to vector<16xi32>
      %swap3A_850 = vector.shape_cast %add3A_843 : vector<16xi32> to vector<1x16xi32>
      tpu.vector_store %arg7[%swap3A_846, %swap3A_847], %swap3A_850 {strides = array<i32>} : memref<80x125xi32, #tpu.memory_space<vmem>>, vector<1x16xi32>,
    }
    %scan3A_86 = arith.constant 20 : i32
    %dma_wait3A_87 = arith.constant 79 : i32
    %dma_wait3A_88 = arith.constant 0 : i32
    %dma_wait3A_89 = tpu.memref_slice %arg8[%dma_wait3A_87, %dma_wait3A_88] : memref<80x125xi32, #tpu.memory_space<vmem>> -> memref<1x125xi32, #tpu.memory_space<vmem>>
    %dma_wait3A_90 = tpu.memref_squeeze %dma_wait3A_89 : memref<1x125xi32, #tpu.memory_space<vmem>> -> memref<125xi32, #tpu.memory_space<vmem>>
    %dma_wait3A_91 = arith.constant 0 : i32
    %dma_wait3A_92 = arith.constant 0 : i32
    %dma_wait3A_93 = tpu.memref_slice %arg14[%dma_wait3A_91, %dma_wait3A_92] : memref<10000x64xf32, #tpu.memory_space<vmem_shared>> -> memref<10000x64xf32, #tpu.memory_space<vmem_shared>>
    tpu.wait_indirect_dma semaphore(%arg19 : memref<!tpu.dma_semaphore, #tpu.memory_space<semaphore_mem>>) src(%arg9 : memref<125x64xf32, #tpu.memory_space<vmem>>) dst(%dma_wait3A_93 : memref<10000x64xf32, #tpu.memory_space<vmem_shared>>)
    %dma_wait3A_94 = arith.constant 79 : i32
    %dma_wait3A_95 = arith.constant 0 : i32
    %dma_wait3A_96 = tpu.memref_slice %arg8[%dma_wait3A_94, %dma_wait3A_95] : memref<80x125xi32, #tpu.memory_space<vmem>> -> memref<1x125xi32, #tpu.memory_space<vmem>>
    %dma_wait3A_97 = tpu.memref_squeeze %dma_wait3A_96 : memref<1x125xi32, #tpu.memory_space<vmem>> -> memref<125xi32, #tpu.memory_space<vmem>>
    %dma_wait3A_98 = arith.constant 0 : i32
    %dma_wait3A_99 = arith.constant 0 : i32
    %dma_wait3A_100 = tpu.memref_slice %arg14[%dma_wait3A_98, %dma_wait3A_99] : memref<10000x64xf32, #tpu.memory_space<vmem_shared>> -> memref<10000x64xf32, #tpu.memory_space<vmem_shared>>
    tpu.wait_indirect_dma semaphore(%arg20 : memref<!tpu.dma_semaphore, #tpu.memory_space<semaphore_mem>>) src(%arg10 : memref<125x64xf32, #tpu.memory_space<vmem>>) dst(%dma_wait3A_100 : memref<10000x64xf32, #tpu.memory_space<vmem_shared>>)
    %dma_wait3A_101 = arith.constant 79 : i32
    %dma_wait3A_102 = arith.constant 0 : i32
    %dma_wait3A_103 = tpu.memref_slice %arg8[%dma_wait3A_101, %dma_wait3A_102] : memref<80x125xi32, #tpu.memory_space<vmem>> -> memref<1x125xi32, #tpu.memory_space<vmem>>
    %dma_wait3A_104 = tpu.memref_squeeze %dma_wait3A_103 : memref<1x125xi32, #tpu.memory_space<vmem>> -> memref<125xi32, #tpu.memory_space<vmem>>
    %dma_wait3A_105 = arith.constant 0 : i32
    %dma_wait3A_106 = arith.constant 0 : i32
    %dma_wait3A_107 = tpu.memref_slice %arg14[%dma_wait3A_105, %dma_wait3A_106] : memref<10000x64xf32, #tpu.memory_space<vmem_shared>> -> memref<10000x64xf32, #tpu.memory_space<vmem_shared>>
    tpu.wait_indirect_dma semaphore(%arg21 : memref<!tpu.dma_semaphore, #tpu.memory_space<semaphore_mem>>) src(%arg11 : memref<125x64xf32, #tpu.memory_space<vmem>>) dst(%dma_wait3A_107 : memref<10000x64xf32, #tpu.memory_space<vmem_shared>>)
    %dma_wait3A_108 = arith.constant 79 : i32
    %dma_wait3A_109 = arith.constant 0 : i32
    %dma_wait3A_110 = tpu.memref_slice %arg8[%dma_wait3A_108, %dma_wait3A_109] : memref<80x125xi32, #tpu.memory_space<vmem>> -> memref<1x125xi32, #tpu.memory_space<vmem>>
    %dma_wait3A_111 = tpu.memref_squeeze %dma_wait3A_110 : memref<1x125xi32, #tpu.memory_space<vmem>> -> memref<125xi32, #tpu.memory_space<vmem>>
    %dma_wait3A_112 = arith.constant 0 : i32
    %dma_wait3A_113 = arith.constant 0 : i32
    %dma_wait3A_114 = tpu.memref_slice %arg14[%dma_wait3A_112, %dma_wait3A_113] : memref<10000x64xf32, #tpu.memory_space<vmem_shared>> -> memref<10000x64xf32, #tpu.memory_space<vmem_shared>>
    tpu.wait_indirect_dma semaphore(%arg22 : memref<!tpu.dma_semaphore, #tpu.memory_space<semaphore_mem>>) src(%arg12 : memref<125x64xf32, #tpu.memory_space<vmem>>) dst(%dma_wait3A_114 : memref<10000x64xf32, #tpu.memory_space<vmem_shared>>)
    %barrier3A_115 = arith.constant 0 : index
    tpu.barrier barrier_id(%barrier3A_115)
    %lt3A = arith.constant 15 : i32
    %lt3A_116 = arith.cmpi slt, %arg1, %lt3A : i32
    %convert_element_type3A_117 = arith.extui %lt3A_116 : i1 to i32
    %cond3A_118 = arith.constant 0 : i32
    %cond3A_119 = arith.cmpi ne, %convert_element_type3A_117, %cond3A_118 : i32
    scf.if %cond3A_119 {
      %mul3A_244 = arith.constant 624 : i32
      %mul3A_245 = arith.muli %arg1, %mul3A_244 : i32
      %mul3A_246 = arith.constant 10000 : i32
      %mul3A_247 = arith.muli %add3A_41, %mul3A_246 : i32
      %mul3A_248 = arith.constant 624 : i32
      %mul3A_249 = arith.muli %arg1, %mul3A_248 : i32
      %add3A_250 = arith.addi %mul3A_247, %mul3A_249 : i32
      "tpu.region"() ({
        %run_scoped3A_251 = tpu.sem_alloc : memref<!tpu.dma_semaphore, #tpu.memory_space<semaphore_mem>>
        %dma_start3A_252 = arith.constant 0 : i32
        %dma_start3A_253 = tpu.memref_slice %arg4[%add3A_250, %dma_start3A_252] : memref<40000x64xf32, #tpu.memory_space<hbm>> -> memref<624x64xf32, #tpu.memory_space<hbm>>
        %dma_start3A_254 = arith.constant 0 : i32
        %dma_start3A_255 = tpu.memref_slice %arg14[%mul3A_245, %dma_start3A_254] : memref<10000x64xf32, #tpu.memory_space<vmem_shared>> -> memref<624x64xf32, #tpu.memory_space<vmem_shared>>
        tpu.enqueue_dma source(%dma_start3A_255 : memref<624x64xf32, #tpu.memory_space<vmem_shared>>) target(%dma_start3A_253 : memref<624x64xf32, #tpu.memory_space<hbm>>) target_semaphore(%run_scoped3A_251 : memref<!tpu.dma_semaphore, #tpu.memory_space<semaphore_mem>>)
        %dma_wait3A_256 = arith.constant 0 : i32
        %dma_wait3A_257 = tpu.memref_slice %arg4[%add3A_250, %dma_wait3A_256] : memref<40000x64xf32, #tpu.memory_space<hbm>> -> memref<624x64xf32, #tpu.memory_space<hbm>>
        %dma_wait3A_258 = arith.constant 0 : i32
        %dma_wait3A_259 = tpu.memref_slice %arg14[%mul3A_245, %dma_wait3A_258] : memref<10000x64xf32, #tpu.memory_space<vmem_shared>> -> memref<624x64xf32, #tpu.memory_space<vmem_shared>>
        tpu.wait_dma2 semaphore(%run_scoped3A_251 : memref<!tpu.dma_semaphore, #tpu.memory_space<semaphore_mem>>) src(%dma_wait3A_259 : memref<624x64xf32, #tpu.memory_space<vmem_shared>>) dst(%dma_wait3A_257 : memref<624x64xf32, #tpu.memory_space<hbm>>)
        tpu.yield
      }) : () -> ()
    } else {
    }
    %eq3A_120 = arith.constant 15 : i32
    %eq3A_121 = arith.cmpi eq, %arg1, %eq3A_120 : i32
    %convert_element_type3A_122 = arith.extui %eq3A_121 : i1 to i32
    %cond3A_123 = arith.constant 0 : i32
    %cond3A_124 = arith.cmpi ne, %convert_element_type3A_122, %cond3A_123 : i32
    scf.if %cond3A_124 {
      %mul3A_244 = arith.constant 10000 : i32
      %mul3A_245 = arith.muli %add3A_41, %mul3A_244 : i32
      %add3A_246 = arith.constant 9360 : i32
      %add3A_247 = arith.addi %mul3A_245, %add3A_246 : i32
      "tpu.region"() ({
        %run_scoped3A_248 = tpu.sem_alloc : memref<!tpu.dma_semaphore, #tpu.memory_space<semaphore_mem>>
        %dma_start3A_249 = arith.constant 0 : i32
        %dma_start3A_250 = tpu.memref_slice %arg4[%add3A_247, %dma_start3A_249] : memref<40000x64xf32, #tpu.memory_space<hbm>> -> memref<640x64xf32, #tpu.memory_space<hbm>>
        %dma_start3A_251 = arith.constant 9360 : i32
        %dma_start3A_252 = arith.constant 0 : i32
        %dma_start3A_253 = tpu.memref_slice %arg14[%dma_start3A_251, %dma_start3A_252] : memref<10000x64xf32, #tpu.memory_space<vmem_shared>> -> memref<640x64xf32, #tpu.memory_space<vmem_shared>>
        tpu.enqueue_dma source(%dma_start3A_253 : memref<640x64xf32, #tpu.memory_space<vmem_shared>>) target(%dma_start3A_250 : memref<640x64xf32, #tpu.memory_space<hbm>>) target_semaphore(%run_scoped3A_248 : memref<!tpu.dma_semaphore, #tpu.memory_space<semaphore_mem>>)
        %dma_wait3A_254 = arith.constant 0 : i32
        %dma_wait3A_255 = tpu.memref_slice %arg4[%add3A_247, %dma_wait3A_254] : memref<40000x64xf32, #tpu.memory_space<hbm>> -> memref<640x64xf32, #tpu.memory_space<hbm>>
        %dma_wait3A_256 = arith.constant 9360 : i32
        %dma_wait3A_257 = arith.constant 0 : i32
        %dma_wait3A_258 = tpu.memref_slice %arg14[%dma_wait3A_256, %dma_wait3A_257] : memref<10000x64xf32, #tpu.memory_space<vmem_shared>> -> memref<640x64xf32, #tpu.memory_space<vmem_shared>>
        tpu.wait_dma2 semaphore(%run_scoped3A_248 : memref<!tpu.dma_semaphore, #tpu.memory_space<semaphore_mem>>) src(%dma_wait3A_258 : memref<640x64xf32, #tpu.memory_space<vmem_shared>>) dst(%dma_wait3A_255 : memref<640x64xf32, #tpu.memory_space<hbm>>)
        tpu.yield
      }) : () -> ()
    } else {
    }
    %mul3A_125 = arith.constant 2 : i32
    %mul3A_126 = arith.muli %mul3A_125, %arg0 : i32
    %add3A_127 = arith.constant 1 : i32
    %add3A_128 = arith.addi %mul3A_126, %add3A_127 : i32
    %mul3A_129 = arith.constant 624 : i32
    %mul3A_130 = arith.muli %arg1, %mul3A_129 : i32
    %add3A_131 = arith.constant 0 : i32
    %add3A_132 = arith.addi %mul3A_130, %add3A_131 : i32
    %dma_start3A_133 = arith.constant 0 : i32
    %dma_start3A_134 = tpu.memref_slice %arg14[%add3A_132, %dma_start3A_133] : memref<10000x64xf32, #tpu.memory_space<vmem_shared>> -> memref<208x64xf32, #tpu.memory_space<vmem_shared>>
    %dma_start3A_135 = arith.constant 0 : i32
    %dma_start3A_136 = tpu.memref_slice %arg14[%add3A_132, %dma_start3A_135] : memref<10000x64xf32, #tpu.memory_space<vmem_shared>> -> memref<208x64xf32, #tpu.memory_space<vmem_shared>>
    tpu.enqueue_dma source(%arg13 : memref<208x64xf32, #tpu.memory_space<vmem>>) target(%dma_start3A_136 : memref<208x64xf32, #tpu.memory_space<vmem_shared>>) target_semaphore(%arg23 : memref<!tpu.dma_semaphore, #tpu.memory_space<semaphore_mem>>)
    %mul3A_137 = arith.constant 624 : i32
    %mul3A_138 = arith.muli %arg1, %mul3A_137 : i32
    %add3A_139 = arith.constant 208 : i32
    %add3A_140 = arith.addi %mul3A_138, %add3A_139 : i32
    %dma_start3A_141 = arith.constant 0 : i32
    %dma_start3A_142 = tpu.memref_slice %arg14[%add3A_140, %dma_start3A_141] : memref<10000x64xf32, #tpu.memory_space<vmem_shared>> -> memref<208x64xf32, #tpu.memory_space<vmem_shared>>
    %dma_start3A_143 = arith.constant 0 : i32
    %dma_start3A_144 = tpu.memref_slice %arg14[%add3A_140, %dma_start3A_143] : memref<10000x64xf32, #tpu.memory_space<vmem_shared>> -> memref<208x64xf32, #tpu.memory_space<vmem_shared>>
    tpu.enqueue_dma source(%arg13 : memref<208x64xf32, #tpu.memory_space<vmem>>) target(%dma_start3A_144 : memref<208x64xf32, #tpu.memory_space<vmem_shared>>) target_semaphore(%arg23 : memref<!tpu.dma_semaphore, #tpu.memory_space<semaphore_mem>>)
    %mul3A_145 = arith.constant 624 : i32
    %mul3A_146 = arith.muli %arg1, %mul3A_145 : i32
    %add3A_147 = arith.constant 416 : i32
    %add3A_148 = arith.addi %mul3A_146, %add3A_147 : i32
    %dma_start3A_149 = arith.constant 0 : i32
    %dma_start3A_150 = tpu.memref_slice %arg14[%add3A_148, %dma_start3A_149] : memref<10000x64xf32, #tpu.memory_space<vmem_shared>> -> memref<208x64xf32, #tpu.memory_space<vmem_shared>>
    %dma_start3A_151 = arith.constant 0 : i32
    %dma_start3A_152 = tpu.memref_slice %arg14[%add3A_148, %dma_start3A_151] : memref<10000x64xf32, #tpu.memory_space<vmem_shared>> -> memref<208x64xf32, #tpu.memory_space<vmem_shared>>
    tpu.enqueue_dma source(%arg13 : memref<208x64xf32, #tpu.memory_space<vmem>>) target(%dma_start3A_152 : memref<208x64xf32, #tpu.memory_space<vmem_shared>>) target_semaphore(%arg23 : memref<!tpu.dma_semaphore, #tpu.memory_space<semaphore_mem>>)
    %eq3A_153 = arith.constant 15 : i32
    %eq3A_154 = arith.cmpi eq, %arg1, %eq3A_153 : i32
    %convert_element_type3A_155 = arith.extui %eq3A_154 : i1 to i32
    %cond3A_156 = arith.constant 0 : i32
    %cond3A_157 = arith.cmpi ne, %convert_element_type3A_155, %cond3A_156 : i32
    scf.if %cond3A_157 {
      %dma_start3A_244 = arith.constant 0 : i32
      %dma_start3A_245 = arith.constant 0 : i32
      %dma_start3A_246 = tpu.memref_slice %arg13[%dma_start3A_244, %dma_start3A_245] : memref<208x64xf32, #tpu.memory_space<vmem>> -> memref<16x64xf32, #tpu.memory_space<vmem>>
      %dma_start3A_247 = arith.constant 9984 : i32
      %dma_start3A_248 = arith.constant 0 : i32
      %dma_start3A_249 = tpu.memref_slice %arg14[%dma_start3A_247, %dma_start3A_248] : memref<10000x64xf32, #tpu.memory_space<vmem_shared>> -> memref<16x64xf32, #tpu.memory_space<vmem_shared>>
      %dma_start3A_250 = arith.constant 9984 : i32
      %dma_start3A_251 = arith.constant 0 : i32
      %dma_start3A_252 = tpu.memref_slice %arg14[%dma_start3A_250, %dma_start3A_251] : memref<10000x64xf32, #tpu.memory_space<vmem_shared>> -> memref<16x64xf32, #tpu.memory_space<vmem_shared>>
      %dma_start3A_253 = arith.constant 0 : i32
      %dma_start3A_254 = arith.constant 0 : i32
      %dma_start3A_255 = tpu.memref_slice %arg13[%dma_start3A_253, %dma_start3A_254] : memref<208x64xf32, #tpu.memory_space<vmem>> -> memref<16x64xf32, #tpu.memory_space<vmem>>
      tpu.enqueue_dma source(%dma_start3A_255 : memref<16x64xf32, #tpu.memory_space<vmem>>) target(%dma_start3A_252 : memref<16x64xf32, #tpu.memory_space<vmem_shared>>) target_semaphore(%arg23 : memref<!tpu.dma_semaphore, #tpu.memory_space<semaphore_mem>>)
      %dma_wait3A_256 = arith.constant 0 : i32
      %dma_wait3A_257 = arith.constant 0 : i32
      %dma_wait3A_258 = tpu.memref_slice %arg13[%dma_wait3A_256, %dma_wait3A_257] : memref<208x64xf32, #tpu.memory_space<vmem>> -> memref<16x64xf32, #tpu.memory_space<vmem>>
      %dma_wait3A_259 = arith.constant 9984 : i32
      %dma_wait3A_260 = arith.constant 0 : i32
      %dma_wait3A_261 = tpu.memref_slice %arg14[%dma_wait3A_259, %dma_wait3A_260] : memref<10000x64xf32, #tpu.memory_space<vmem_shared>> -> memref<16x64xf32, #tpu.memory_space<vmem_shared>>
      %dma_wait3A_262 = arith.constant 9984 : i32
      %dma_wait3A_263 = arith.constant 0 : i32
      %dma_wait3A_264 = tpu.memref_slice %arg14[%dma_wait3A_262, %dma_wait3A_263] : memref<10000x64xf32, #tpu.memory_space<vmem_shared>> -> memref<16x64xf32, #tpu.memory_space<vmem_shared>>
      %dma_wait3A_265 = arith.constant 0 : i32
      %dma_wait3A_266 = arith.constant 0 : i32
      %dma_wait3A_267 = tpu.memref_slice %arg13[%dma_wait3A_265, %dma_wait3A_266] : memref<208x64xf32, #tpu.memory_space<vmem>> -> memref<16x64xf32, #tpu.memory_space<vmem>>
      tpu.wait_dma2 semaphore(%arg23 : memref<!tpu.dma_semaphore, #tpu.memory_space<semaphore_mem>>) src(%dma_wait3A_267 : memref<16x64xf32, #tpu.memory_space<vmem>>) dst(%dma_wait3A_264 : memref<16x64xf32, #tpu.memory_space<vmem_shared>>)
    } else {
    }
    %dma_wait3A_158 = arith.constant 0 : i32
    %dma_wait3A_159 = tpu.memref_slice %arg14[%add3A_132, %dma_wait3A_158] : memref<10000x64xf32, #tpu.memory_space<vmem_shared>> -> memref<208x64xf32, #tpu.memory_space<vmem_shared>>
    %dma_wait3A_160 = arith.constant 0 : i32
    %dma_wait3A_161 = tpu.memref_slice %arg14[%add3A_132, %dma_wait3A_160] : memref<10000x64xf32, #tpu.memory_space<vmem_shared>> -> memref<208x64xf32, #tpu.memory_space<vmem_shared>>
    tpu.wait_dma2 semaphore(%arg23 : memref<!tpu.dma_semaphore, #tpu.memory_space<semaphore_mem>>) src(%arg13 : memref<208x64xf32, #tpu.memory_space<vmem>>) dst(%dma_wait3A_161 : memref<208x64xf32, #tpu.memory_space<vmem_shared>>)
    %dma_wait3A_162 = arith.constant 0 : i32
    %dma_wait3A_163 = tpu.memref_slice %arg14[%add3A_140, %dma_wait3A_162] : memref<10000x64xf32, #tpu.memory_space<vmem_shared>> -> memref<208x64xf32, #tpu.memory_space<vmem_shared>>
    %dma_wait3A_164 = arith.constant 0 : i32
    %dma_wait3A_165 = tpu.memref_slice %arg14[%add3A_140, %dma_wait3A_164] : memref<10000x64xf32, #tpu.memory_space<vmem_shared>> -> memref<208x64xf32, #tpu.memory_space<vmem_shared>>
    tpu.wait_dma2 semaphore(%arg23 : memref<!tpu.dma_semaphore, #tpu.memory_space<semaphore_mem>>) src(%arg13 : memref<208x64xf32, #tpu.memory_space<vmem>>) dst(%dma_wait3A_165 : memref<208x64xf32, #tpu.memory_space<vmem_shared>>)
    %dma_wait3A_166 = arith.constant 0 : i32
    %dma_wait3A_167 = tpu.memref_slice %arg14[%add3A_148, %dma_wait3A_166] : memref<10000x64xf32, #tpu.memory_space<vmem_shared>> -> memref<208x64xf32, #tpu.memory_space<vmem_shared>>
    %dma_wait3A_168 = arith.constant 0 : i32
    %dma_wait3A_169 = tpu.memref_slice %arg14[%add3A_148, %dma_wait3A_168] : memref<10000x64xf32, #tpu.memory_space<vmem_shared>> -> memref<208x64xf32, #tpu.memory_space<vmem_shared>>
    tpu.wait_dma2 semaphore(%arg23 : memref<!tpu.dma_semaphore, #tpu.memory_space<semaphore_mem>>) src(%arg13 : memref<208x64xf32, #tpu.memory_space<vmem>>) dst(%dma_wait3A_169 : memref<208x64xf32, #tpu.memory_space<vmem_shared>>)
    %barrier3A_170 = arith.constant 0 : index
    tpu.barrier barrier_id(%barrier3A_170)
    %dma_start3A_171 = arith.constant 0 : i32
    %dma_start3A_172 = arith.constant 0 : i32
    %dma_start3A_173 = tpu.memref_slice %arg7[%dma_start3A_171, %dma_start3A_172] : memref<80x125xi32, #tpu.memory_space<vmem>> -> memref<1x125xi32, #tpu.memory_space<vmem>>
    %dma_start3A_174 = tpu.memref_squeeze %dma_start3A_173 : memref<1x125xi32, #tpu.memory_space<vmem>> -> memref<125xi32, #tpu.memory_space<vmem>>
    %dma_start3A_175 = arith.constant 0 : i32
    %dma_start3A_176 = arith.constant 0 : i32
    %dma_start3A_177 = tpu.memref_slice %arg2[%dma_start3A_175, %dma_start3A_176] : memref<40000x64xf32, #tpu.memory_space<hbm>> -> memref<40000x64xf32, #tpu.memory_space<hbm>>
    tpu.enqueue_indirect_dma source(%dma_start3A_177 : memref<40000x64xf32, #tpu.memory_space<hbm>>) target(%arg9 : memref<125x64xf32, #tpu.memory_space<vmem>>) offsets(%dma_start3A_174 : memref<125xi32, #tpu.memory_space<vmem>>) semaphore(%arg15 : memref<!tpu.dma_semaphore, #tpu.memory_space<semaphore_mem>>)
    %dma_start3A_178 = arith.constant 1 : i32
    %dma_start3A_179 = arith.constant 0 : i32
    %dma_start3A_180 = tpu.memref_slice %arg7[%dma_start3A_178, %dma_start3A_179] : memref<80x125xi32, #tpu.memory_space<vmem>> -> memref<1x125xi32, #tpu.memory_space<vmem>>
    %dma_start3A_181 = tpu.memref_squeeze %dma_start3A_180 : memref<1x125xi32, #tpu.memory_space<vmem>> -> memref<125xi32, #tpu.memory_space<vmem>>
    %dma_start3A_182 = arith.constant 0 : i32
    %dma_start3A_183 = arith.constant 0 : i32
    %dma_start3A_184 = tpu.memref_slice %arg2[%dma_start3A_182, %dma_start3A_183] : memref<40000x64xf32, #tpu.memory_space<hbm>> -> memref<40000x64xf32, #tpu.memory_space<hbm>>
    tpu.enqueue_indirect_dma source(%dma_start3A_184 : memref<40000x64xf32, #tpu.memory_space<hbm>>) target(%arg10 : memref<125x64xf32, #tpu.memory_space<vmem>>) offsets(%dma_start3A_181 : memref<125xi32, #tpu.memory_space<vmem>>) semaphore(%arg16 : memref<!tpu.dma_semaphore, #tpu.memory_space<semaphore_mem>>)
    %dma_start3A_185 = arith.constant 2 : i32
    %dma_start3A_186 = arith.constant 0 : i32
    %dma_start3A_187 = tpu.memref_slice %arg7[%dma_start3A_185, %dma_start3A_186] : memref<80x125xi32, #tpu.memory_space<vmem>> -> memref<1x125xi32, #tpu.memory_space<vmem>>
    %dma_start3A_188 = tpu.memref_squeeze %dma_start3A_187 : memref<1x125xi32, #tpu.memory_space<vmem>> -> memref<125xi32, #tpu.memory_space<vmem>>
    %dma_start3A_189 = arith.constant 0 : i32
    %dma_start3A_190 = arith.constant 0 : i32
    %dma_start3A_191 = tpu.memref_slice %arg2[%dma_start3A_189, %dma_start3A_190] : memref<40000x64xf32, #tpu.memory_space<hbm>> -> memref<40000x64xf32, #tpu.memory_space<hbm>>
    tpu.enqueue_indirect_dma source(%dma_start3A_191 : memref<40000x64xf32, #tpu.memory_space<hbm>>) target(%arg11 : memref<125x64xf32, #tpu.memory_space<vmem>>) offsets(%dma_start3A_188 : memref<125xi32, #tpu.memory_space<vmem>>) semaphore(%arg17 : memref<!tpu.dma_semaphore, #tpu.memory_space<semaphore_mem>>)
    %dma_start3A_192 = arith.constant 3 : i32
    %dma_start3A_193 = arith.constant 0 : i32
    %dma_start3A_194 = tpu.memref_slice %arg7[%dma_start3A_192, %dma_start3A_193] : memref<80x125xi32, #tpu.memory_space<vmem>> -> memref<1x125xi32, #tpu.memory_space<vmem>>
    %dma_start3A_195 = tpu.memref_squeeze %dma_start3A_194 : memref<1x125xi32, #tpu.memory_space<vmem>> -> memref<125xi32, #tpu.memory_space<vmem>>
    %dma_start3A_196 = arith.constant 0 : i32
    %dma_start3A_197 = arith.constant 0 : i32
    %dma_start3A_198 = tpu.memref_slice %arg2[%dma_start3A_196, %dma_start3A_197] : memref<40000x64xf32, #tpu.memory_space<hbm>> -> memref<40000x64xf32, #tpu.memory_space<hbm>>
    tpu.enqueue_indirect_dma source(%dma_start3A_198 : memref<40000x64xf32, #tpu.memory_space<hbm>>) target(%arg12 : memref<125x64xf32, #tpu.memory_space<vmem>>) offsets(%dma_start3A_195 : memref<125xi32, #tpu.memory_space<vmem>>) semaphore(%arg18 : memref<!tpu.dma_semaphore, #tpu.memory_space<semaphore_mem>>)
    %scan3A_199 = arith.constant 0 : i32
    %scan3A_200 = arith.constant 0 : i32
    %scan3A_201 = arith.constant 20 : i32
    %scan3A_202 = arith.addi %scan3A_200, %scan3A_201 : i32
    %scan3A_203 = arith.constant 1 : i32
    scf.for %scan3A_244 = %scan3A_200 to %scan3A_202 step %scan3A_203  : i32 {
      %mul3A_245 = arith.constant 4 : i32
      %mul3A_246 = arith.muli %mul3A_245, %scan3A_244 : i32
      %add3A_247 = arith.constant 0 : i32
      %add3A_248 = arith.addi %mul3A_246, %add3A_247 : i32
      %dma_wait3A_249 = arith.constant 0 : i32
      %dma_wait3A_250 = tpu.memref_slice %arg7[%add3A_248, %dma_wait3A_249] : memref<80x125xi32, #tpu.memory_space<vmem>> -> memref<1x125xi32, #tpu.memory_space<vmem>>
      %dma_wait3A_251 = tpu.memref_squeeze %dma_wait3A_250 : memref<1x125xi32, #tpu.memory_space<vmem>> -> memref<125xi32, #tpu.memory_space<vmem>>
      %dma_wait3A_252 = arith.constant 0 : i32
      %dma_wait3A_253 = arith.constant 0 : i32
      %dma_wait3A_254 = tpu.memref_slice %arg2[%dma_wait3A_252, %dma_wait3A_253] : memref<40000x64xf32, #tpu.memory_space<hbm>> -> memref<40000x64xf32, #tpu.memory_space<hbm>>
      tpu.wait_indirect_dma semaphore(%arg15 : memref<!tpu.dma_semaphore, #tpu.memory_space<semaphore_mem>>) src(%dma_wait3A_254 : memref<40000x64xf32, #tpu.memory_space<hbm>>) dst(%arg9 : memref<125x64xf32, #tpu.memory_space<vmem>>)
      %dma_start3A_255 = arith.constant 0 : i32
      %dma_start3A_256 = tpu.memref_slice %arg8[%add3A_248, %dma_start3A_255] : memref<80x125xi32, #tpu.memory_space<vmem>> -> memref<1x125xi32, #tpu.memory_space<vmem>>
      %dma_start3A_257 = tpu.memref_squeeze %dma_start3A_256 : memref<1x125xi32, #tpu.memory_space<vmem>> -> memref<125xi32, #tpu.memory_space<vmem>>
      %dma_start3A_258 = arith.constant 0 : i32
      %dma_start3A_259 = arith.constant 0 : i32
      %dma_start3A_260 = tpu.memref_slice %arg14[%dma_start3A_258, %dma_start3A_259] : memref<10000x64xf32, #tpu.memory_space<vmem_shared>> -> memref<10000x64xf32, #tpu.memory_space<vmem_shared>>
      tpu.enqueue_indirect_dma source(%arg9 : memref<125x64xf32, #tpu.memory_space<vmem>>) target(%dma_start3A_260 : memref<10000x64xf32, #tpu.memory_space<vmem_shared>>) offsets(%dma_start3A_257 : memref<125xi32, #tpu.memory_space<vmem>>) semaphore(%arg19 : memref<!tpu.dma_semaphore, #tpu.memory_space<semaphore_mem>>) {add = true}
      %sub3A = arith.constant 1 : i32
      %sub3A_261 = arith.subi %add3A_248, %sub3A : i32
      %gt3A = arith.constant 0 : i32
      %gt3A_262 = arith.cmpi sgt, %mul3A_246, %gt3A : i32
      %sub3A_263 = arith.constant 1 : i32
      %sub3A_264 = arith.subi %mul3A_246, %sub3A_263 : i32
      %add3A_265 = arith.constant 4 : i32
      %add3A_266 = arith.addi %sub3A_264, %add3A_265 : i32
      %lt3A_267 = arith.constant 80 : i32
      %lt3A_268 = arith.cmpi slt, %add3A_266, %lt3A_267 : i32
      %and3A = arith.andi %gt3A_262, %lt3A_268 : i1
      %convert_element_type3A_269 = arith.extui %and3A : i1 to i32
      %cond3A_270 = arith.constant 0 : i32
      %cond3A_271 = arith.cmpi ne, %convert_element_type3A_269, %cond3A_270 : i32
      scf.if %cond3A_271 {
        %dma_wait3A_341 = arith.constant 0 : i32
        %dma_wait3A_342 = tpu.memref_slice %arg8[%sub3A_261, %dma_wait3A_341] : memref<80x125xi32, #tpu.memory_space<vmem>> -> memref<1x125xi32, #tpu.memory_space<vmem>>
        %dma_wait3A_343 = tpu.memref_squeeze %dma_wait3A_342 : memref<1x125xi32, #tpu.memory_space<vmem>> -> memref<125xi32, #tpu.memory_space<vmem>>
        %dma_wait3A_344 = arith.constant 0 : i32
        %dma_wait3A_345 = arith.constant 0 : i32
        %dma_wait3A_346 = tpu.memref_slice %arg14[%dma_wait3A_344, %dma_wait3A_345] : memref<10000x64xf32, #tpu.memory_space<vmem_shared>> -> memref<10000x64xf32, #tpu.memory_space<vmem_shared>>
        tpu.wait_indirect_dma semaphore(%arg22 : memref<!tpu.dma_semaphore, #tpu.memory_space<semaphore_mem>>) src(%arg12 : memref<125x64xf32, #tpu.memory_space<vmem>>) dst(%dma_wait3A_346 : memref<10000x64xf32, #tpu.memory_space<vmem_shared>>)
        %add3A_347 = arith.constant 4 : i32
        %add3A_348 = arith.addi %sub3A_261, %add3A_347 : i32
        %dma_start3A_349 = arith.constant 0 : i32
        %dma_start3A_350 = tpu.memref_slice %arg7[%add3A_348, %dma_start3A_349] : memref<80x125xi32, #tpu.memory_space<vmem>> -> memref<1x125xi32, #tpu.memory_space<vmem>>
        %dma_start3A_351 = tpu.memref_squeeze %dma_start3A_350 : memref<1x125xi32, #tpu.memory_space<vmem>> -> memref<125xi32, #tpu.memory_space<vmem>>
        %dma_start3A_352 = arith.constant 0 : i32
        %dma_start3A_353 = arith.constant 0 : i32
        %dma_start3A_354 = tpu.memref_slice %arg2[%dma_start3A_352, %dma_start3A_353] : memref<40000x64xf32, #tpu.memory_space<hbm>> -> memref<40000x64xf32, #tpu.memory_space<hbm>>
        tpu.enqueue_indirect_dma source(%dma_start3A_354 : memref<40000x64xf32, #tpu.memory_space<hbm>>) target(%arg12 : memref<125x64xf32, #tpu.memory_space<vmem>>) offsets(%dma_start3A_351 : memref<125xi32, #tpu.memory_space<vmem>>) semaphore(%arg18 : memref<!tpu.dma_semaphore, #tpu.memory_space<semaphore_mem>>)
      } else {
      }
      %add3A_272 = arith.constant 1 : i32
      %add3A_273 = arith.addi %mul3A_246, %add3A_272 : i32
      %dma_wait3A_274 = arith.constant 0 : i32
      %dma_wait3A_275 = tpu.memref_slice %arg7[%add3A_273, %dma_wait3A_274] : memref<80x125xi32, #tpu.memory_space<vmem>> -> memref<1x125xi32, #tpu.memory_space<vmem>>
      %dma_wait3A_276 = tpu.memref_squeeze %dma_wait3A_275 : memref<1x125xi32, #tpu.memory_space<vmem>> -> memref<125xi32, #tpu.memory_space<vmem>>
      %dma_wait3A_277 = arith.constant 0 : i32
      %dma_wait3A_278 = arith.constant 0 : i32
      %dma_wait3A_279 = tpu.memref_slice %arg2[%dma_wait3A_277, %dma_wait3A_278] : memref<40000x64xf32, #tpu.memory_space<hbm>> -> memref<40000x64xf32, #tpu.memory_space<hbm>>
      tpu.wait_indirect_dma semaphore(%arg16 : memref<!tpu.dma_semaphore, #tpu.memory_space<semaphore_mem>>) src(%dma_wait3A_279 : memref<40000x64xf32, #tpu.memory_space<hbm>>) dst(%arg10 : memref<125x64xf32, #tpu.memory_space<vmem>>)
      %dma_start3A_280 = arith.constant 0 : i32
      %dma_start3A_281 = tpu.memref_slice %arg8[%add3A_273, %dma_start3A_280] : memref<80x125xi32, #tpu.memory_space<vmem>> -> memref<1x125xi32, #tpu.memory_space<vmem>>
      %dma_start3A_282 = tpu.memref_squeeze %dma_start3A_281 : memref<1x125xi32, #tpu.memory_space<vmem>> -> memref<125xi32, #tpu.memory_space<vmem>>
      %dma_start3A_283 = arith.constant 0 : i32
      %dma_start3A_284 = arith.constant 0 : i32
      %dma_start3A_285 = tpu.memref_slice %arg14[%dma_start3A_283, %dma_start3A_284] : memref<10000x64xf32, #tpu.memory_space<vmem_shared>> -> memref<10000x64xf32, #tpu.memory_space<vmem_shared>>
      tpu.enqueue_indirect_dma source(%arg10 : memref<125x64xf32, #tpu.memory_space<vmem>>) target(%dma_start3A_285 : memref<10000x64xf32, #tpu.memory_space<vmem_shared>>) offsets(%dma_start3A_282 : memref<125xi32, #tpu.memory_space<vmem>>) semaphore(%arg20 : memref<!tpu.dma_semaphore, #tpu.memory_space<semaphore_mem>>) {add = true}
      %sub3A_286 = arith.constant 1 : i32
      %sub3A_287 = arith.subi %add3A_273, %sub3A_286 : i32
      %add3A_288 = arith.constant 4 : i32
      %add3A_289 = arith.addi %sub3A_287, %add3A_288 : i32
      %lt3A_290 = arith.constant 80 : i32
      %lt3A_291 = arith.cmpi slt, %add3A_289, %lt3A_290 : i32
      %convert_element_type3A_292 = arith.extui %lt3A_291 : i1 to i32
      %cond3A_293 = arith.constant 0 : i32
      %cond3A_294 = arith.cmpi ne, %convert_element_type3A_292, %cond3A_293 : i32
      scf.if %cond3A_294 {
        %dma_wait3A_341 = arith.constant 0 : i32
        %dma_wait3A_342 = tpu.memref_slice %arg8[%sub3A_287, %dma_wait3A_341] : memref<80x125xi32, #tpu.memory_space<vmem>> -> memref<1x125xi32, #tpu.memory_space<vmem>>
        %dma_wait3A_343 = tpu.memref_squeeze %dma_wait3A_342 : memref<1x125xi32, #tpu.memory_space<vmem>> -> memref<125xi32, #tpu.memory_space<vmem>>
        %dma_wait3A_344 = arith.constant 0 : i32
        %dma_wait3A_345 = arith.constant 0 : i32
        %dma_wait3A_346 = tpu.memref_slice %arg14[%dma_wait3A_344, %dma_wait3A_345] : memref<10000x64xf32, #tpu.memory_space<vmem_shared>> -> memref<10000x64xf32, #tpu.memory_space<vmem_shared>>
        tpu.wait_indirect_dma semaphore(%arg19 : memref<!tpu.dma_semaphore, #tpu.memory_space<semaphore_mem>>) src(%arg9 : memref<125x64xf32, #tpu.memory_space<vmem>>) dst(%dma_wait3A_346 : memref<10000x64xf32, #tpu.memory_space<vmem_shared>>)
        %add3A_347 = arith.constant 4 : i32
        %add3A_348 = arith.addi %sub3A_287, %add3A_347 : i32
        %dma_start3A_349 = arith.constant 0 : i32
        %dma_start3A_350 = tpu.memref_slice %arg7[%add3A_348, %dma_start3A_349] : memref<80x125xi32, #tpu.memory_space<vmem>> -> memref<1x125xi32, #tpu.memory_space<vmem>>
        %dma_start3A_351 = tpu.memref_squeeze %dma_start3A_350 : memref<1x125xi32, #tpu.memory_space<vmem>> -> memref<125xi32, #tpu.memory_space<vmem>>
        %dma_start3A_352 = arith.constant 0 : i32
        %dma_start3A_353 = arith.constant 0 : i32
        %dma_start3A_354 = tpu.memref_slice %arg2[%dma_start3A_352, %dma_start3A_353] : memref<40000x64xf32, #tpu.memory_space<hbm>> -> memref<40000x64xf32, #tpu.memory_space<hbm>>
        tpu.enqueue_indirect_dma source(%dma_start3A_354 : memref<40000x64xf32, #tpu.memory_space<hbm>>) target(%arg9 : memref<125x64xf32, #tpu.memory_space<vmem>>) offsets(%dma_start3A_351 : memref<125xi32, #tpu.memory_space<vmem>>) semaphore(%arg15 : memref<!tpu.dma_semaphore, #tpu.memory_space<semaphore_mem>>)
      } else {
      }
      %add3A_295 = arith.constant 2 : i32
      %add3A_296 = arith.addi %mul3A_246, %add3A_295 : i32
      %dma_wait3A_297 = arith.constant 0 : i32
      %dma_wait3A_298 = tpu.memref_slice %arg7[%add3A_296, %dma_wait3A_297] : memref<80x125xi32, #tpu.memory_space<vmem>> -> memref<1x125xi32, #tpu.memory_space<vmem>>
      %dma_wait3A_299 = tpu.memref_squeeze %dma_wait3A_298 : memref<1x125xi32, #tpu.memory_space<vmem>> -> memref<125xi32, #tpu.memory_space<vmem>>
      %dma_wait3A_300 = arith.constant 0 : i32
      %dma_wait3A_301 = arith.constant 0 : i32
      %dma_wait3A_302 = tpu.memref_slice %arg2[%dma_wait3A_300, %dma_wait3A_301] : memref<40000x64xf32, #tpu.memory_space<hbm>> -> memref<40000x64xf32, #tpu.memory_space<hbm>>
      tpu.wait_indirect_dma semaphore(%arg17 : memref<!tpu.dma_semaphore, #tpu.memory_space<semaphore_mem>>) src(%dma_wait3A_302 : memref<40000x64xf32, #tpu.memory_space<hbm>>) dst(%arg11 : memref<125x64xf32, #tpu.memory_space<vmem>>)
      %dma_start3A_303 = arith.constant 0 : i32
      %dma_start3A_304 = tpu.memref_slice %arg8[%add3A_296, %dma_start3A_303] : memref<80x125xi32, #tpu.memory_space<vmem>> -> memref<1x125xi32, #tpu.memory_space<vmem>>
      %dma_start3A_305 = tpu.memref_squeeze %dma_start3A_304 : memref<1x125xi32, #tpu.memory_space<vmem>> -> memref<125xi32, #tpu.memory_space<vmem>>
      %dma_start3A_306 = arith.constant 0 : i32
      %dma_start3A_307 = arith.constant 0 : i32
      %dma_start3A_308 = tpu.memref_slice %arg14[%dma_start3A_306, %dma_start3A_307] : memref<10000x64xf32, #tpu.memory_space<vmem_shared>> -> memref<10000x64xf32, #tpu.memory_space<vmem_shared>>
      tpu.enqueue_indirect_dma source(%arg11 : memref<125x64xf32, #tpu.memory_space<vmem>>) target(%dma_start3A_308 : memref<10000x64xf32, #tpu.memory_space<vmem_shared>>) offsets(%dma_start3A_305 : memref<125xi32, #tpu.memory_space<vmem>>) semaphore(%arg21 : memref<!tpu.dma_semaphore, #tpu.memory_space<semaphore_mem>>) {add = true}
      %sub3A_309 = arith.constant 1 : i32
      %sub3A_310 = arith.subi %add3A_296, %sub3A_309 : i32
      %add3A_311 = arith.constant 4 : i32
      %add3A_312 = arith.addi %sub3A_310, %add3A_311 : i32
      %lt3A_313 = arith.constant 80 : i32
      %lt3A_314 = arith.cmpi slt, %add3A_312, %lt3A_313 : i32
      %convert_element_type3A_315 = arith.extui %lt3A_314 : i1 to i32
      %cond3A_316 = arith.constant 0 : i32
      %cond3A_317 = arith.cmpi ne, %convert_element_type3A_315, %cond3A_316 : i32
      scf.if %cond3A_317 {
        %dma_wait3A_341 = arith.constant 0 : i32
        %dma_wait3A_342 = tpu.memref_slice %arg8[%sub3A_310, %dma_wait3A_341] : memref<80x125xi32, #tpu.memory_space<vmem>> -> memref<1x125xi32, #tpu.memory_space<vmem>>
        %dma_wait3A_343 = tpu.memref_squeeze %dma_wait3A_342 : memref<1x125xi32, #tpu.memory_space<vmem>> -> memref<125xi32, #tpu.memory_space<vmem>>
        %dma_wait3A_344 = arith.constant 0 : i32
        %dma_wait3A_345 = arith.constant 0 : i32
        %dma_wait3A_346 = tpu.memref_slice %arg14[%dma_wait3A_344, %dma_wait3A_345] : memref<10000x64xf32, #tpu.memory_space<vmem_shared>> -> memref<10000x64xf32, #tpu.memory_space<vmem_shared>>
        tpu.wait_indirect_dma semaphore(%arg20 : memref<!tpu.dma_semaphore, #tpu.memory_space<semaphore_mem>>) src(%arg10 : memref<125x64xf32, #tpu.memory_space<vmem>>) dst(%dma_wait3A_346 : memref<10000x64xf32, #tpu.memory_space<vmem_shared>>)
        %add3A_347 = arith.constant 4 : i32
        %add3A_348 = arith.addi %sub3A_310, %add3A_347 : i32
        %dma_start3A_349 = arith.constant 0 : i32
        %dma_start3A_350 = tpu.memref_slice %arg7[%add3A_348, %dma_start3A_349] : memref<80x125xi32, #tpu.memory_space<vmem>> -> memref<1x125xi32, #tpu.memory_space<vmem>>
        %dma_start3A_351 = tpu.memref_squeeze %dma_start3A_350 : memref<1x125xi32, #tpu.memory_space<vmem>> -> memref<125xi32, #tpu.memory_space<vmem>>
        %dma_start3A_352 = arith.constant 0 : i32
        %dma_start3A_353 = arith.constant 0 : i32
        %dma_start3A_354 = tpu.memref_slice %arg2[%dma_start3A_352, %dma_start3A_353] : memref<40000x64xf32, #tpu.memory_space<hbm>> -> memref<40000x64xf32, #tpu.memory_space<hbm>>
        tpu.enqueue_indirect_dma source(%dma_start3A_354 : memref<40000x64xf32, #tpu.memory_space<hbm>>) target(%arg10 : memref<125x64xf32, #tpu.memory_space<vmem>>) offsets(%dma_start3A_351 : memref<125xi32, #tpu.memory_space<vmem>>) semaphore(%arg16 : memref<!tpu.dma_semaphore, #tpu.memory_space<semaphore_mem>>)
      } else {
      }
      %add3A_318 = arith.constant 3 : i32
      %add3A_319 = arith.addi %mul3A_246, %add3A_318 : i32
      %dma_wait3A_320 = arith.constant 0 : i32
      %dma_wait3A_321 = tpu.memref_slice %arg7[%add3A_319, %dma_wait3A_320] : memref<80x125xi32, #tpu.memory_space<vmem>> -> memref<1x125xi32, #tpu.memory_space<vmem>>
      %dma_wait3A_322 = tpu.memref_squeeze %dma_wait3A_321 : memref<1x125xi32, #tpu.memory_space<vmem>> -> memref<125xi32, #tpu.memory_space<vmem>>
      %dma_wait3A_323 = arith.constant 0 : i32
      %dma_wait3A_324 = arith.constant 0 : i32
      %dma_wait3A_325 = tpu.memref_slice %arg2[%dma_wait3A_323, %dma_wait3A_324] : memref<40000x64xf32, #tpu.memory_space<hbm>> -> memref<40000x64xf32, #tpu.memory_space<hbm>>
      tpu.wait_indirect_dma semaphore(%arg18 : memref<!tpu.dma_semaphore, #tpu.memory_space<semaphore_mem>>) src(%dma_wait3A_325 : memref<40000x64xf32, #tpu.memory_space<hbm>>) dst(%arg12 : memref<125x64xf32, #tpu.memory_space<vmem>>)
      %dma_start3A_326 = arith.constant 0 : i32
      %dma_start3A_327 = tpu.memref_slice %arg8[%add3A_319, %dma_start3A_326] : memref<80x125xi32, #tpu.memory_space<vmem>> -> memref<1x125xi32, #tpu.memory_space<vmem>>
      %dma_start3A_328 = tpu.memref_squeeze %dma_start3A_327 : memref<1x125xi32, #tpu.memory_space<vmem>> -> memref<125xi32, #tpu.memory_space<vmem>>
      %dma_start3A_329 = arith.constant 0 : i32
      %dma_start3A_330 = arith.constant 0 : i32
      %dma_start3A_331 = tpu.memref_slice %arg14[%dma_start3A_329, %dma_start3A_330] : memref<10000x64xf32, #tpu.memory_space<vmem_shared>> -> memref<10000x64xf32, #tpu.memory_space<vmem_shared>>
      tpu.enqueue_indirect_dma source(%arg12 : memref<125x64xf32, #tpu.memory_space<vmem>>) target(%dma_start3A_331 : memref<10000x64xf32, #tpu.memory_space<vmem_shared>>) offsets(%dma_start3A_328 : memref<125xi32, #tpu.memory_space<vmem>>) semaphore(%arg22 : memref<!tpu.dma_semaphore, #tpu.memory_space<semaphore_mem>>) {add = true}
      %sub3A_332 = arith.constant 1 : i32
      %sub3A_333 = arith.subi %add3A_319, %sub3A_332 : i32
      %add3A_334 = arith.constant 4 : i32
      %add3A_335 = arith.addi %sub3A_333, %add3A_334 : i32
      %lt3A_336 = arith.constant 80 : i32
      %lt3A_337 = arith.cmpi slt, %add3A_335, %lt3A_336 : i32
      %convert_element_type3A_338 = arith.extui %lt3A_337 : i1 to i32
      %cond3A_339 = arith.constant 0 : i32
      %cond3A_340 = arith.cmpi ne, %convert_element_type3A_338, %cond3A_339 : i32
      scf.if %cond3A_340 {
        %dma_wait3A_341 = arith.constant 0 : i32
        %dma_wait3A_342 = tpu.memref_slice %arg8[%sub3A_333, %dma_wait3A_341] : memref<80x125xi32, #tpu.memory_space<vmem>> -> memref<1x125xi32, #tpu.memory_space<vmem>>
        %dma_wait3A_343 = tpu.memref_squeeze %dma_wait3A_342 : memref<1x125xi32, #tpu.memory_space<vmem>> -> memref<125xi32, #tpu.memory_space<vmem>>
        %dma_wait3A_344 = arith.constant 0 : i32
        %dma_wait3A_345 = arith.constant 0 : i32
        %dma_wait3A_346 = tpu.memref_slice %arg14[%dma_wait3A_344, %dma_wait3A_345] : memref<10000x64xf32, #tpu.memory_space<vmem_shared>> -> memref<10000x64xf32, #tpu.memory_space<vmem_shared>>
        tpu.wait_indirect_dma semaphore(%arg21 : memref<!tpu.dma_semaphore, #tpu.memory_space<semaphore_mem>>) src(%arg11 : memref<125x64xf32, #tpu.memory_space<vmem>>) dst(%dma_wait3A_346 : memref<10000x64xf32, #tpu.memory_space<vmem_shared>>)
        %add3A_347 = arith.constant 4 : i32
        %add3A_348 = arith.addi %sub3A_333, %add3A_347 : i32
        %dma_start3A_349 = arith.constant 0 : i32
        %dma_start3A_350 = tpu.memref_slice %arg7[%add3A_348, %dma_start3A_349] : memref<80x125xi32, #tpu.memory_space<vmem>> -> memref<1x125xi32, #tpu.memory_space<vmem>>
        %dma_start3A_351 = tpu.memref_squeeze %dma_start3A_350 : memref<1x125xi32, #tpu.memory_space<vmem>> -> memref<125xi32, #tpu.memory_space<vmem>>
        %dma_start3A_352 = arith.constant 0 : i32
        %dma_start3A_353 = arith.constant 0 : i32
        %dma_start3A_354 = tpu.memref_slice %arg2[%dma_start3A_352, %dma_start3A_353] : memref<40000x64xf32, #tpu.memory_space<hbm>> -> memref<40000x64xf32, #tpu.memory_space<hbm>>
        tpu.enqueue_indirect_dma source(%dma_start3A_354 : memref<40000x64xf32, #tpu.memory_space<hbm>>) target(%arg11 : memref<125x64xf32, #tpu.memory_space<vmem>>) offsets(%dma_start3A_351 : memref<125xi32, #tpu.memory_space<vmem>>) semaphore(%arg17 : memref<!tpu.dma_semaphore, #tpu.memory_space<semaphore_mem>>)
      } else {
      }
    }
    %scan3A_204 = arith.constant 20 : i32
    %dma_wait3A_205 = arith.constant 79 : i32
    %dma_wait3A_206 = arith.constant 0 : i32
    %dma_wait3A_207 = tpu.memref_slice %arg8[%dma_wait3A_205, %dma_wait3A_206] : memref<80x125xi32, #tpu.memory_space<vmem>> -> memref<1x125xi32, #tpu.memory_space<vmem>>
    %dma_wait3A_208 = tpu.memref_squeeze %dma_wait3A_207 : memref<1x125xi32, #tpu.memory_space<vmem>> -> memref<125xi32, #tpu.memory_space<vmem>>
    %dma_wait3A_209 = arith.constant 0 : i32
    %dma_wait3A_210 = arith.constant 0 : i32
    %dma_wait3A_211 = tpu.memref_slice %arg14[%dma_wait3A_209, %dma_wait3A_210] : memref<10000x64xf32, #tpu.memory_space<vmem_shared>> -> memref<10000x64xf32, #tpu.memory_space<vmem_shared>>
    tpu.wait_indirect_dma semaphore(%arg19 : memref<!tpu.dma_semaphore, #tpu.memory_space<semaphore_mem>>) src(%arg9 : memref<125x64xf32, #tpu.memory_space<vmem>>) dst(%dma_wait3A_211 : memref<10000x64xf32, #tpu.memory_space<vmem_shared>>)
    %dma_wait3A_212 = arith.constant 79 : i32
    %dma_wait3A_213 = arith.constant 0 : i32
    %dma_wait3A_214 = tpu.memref_slice %arg8[%dma_wait3A_212, %dma_wait3A_213] : memref<80x125xi32, #tpu.memory_space<vmem>> -> memref<1x125xi32, #tpu.memory_space<vmem>>
    %dma_wait3A_215 = tpu.memref_squeeze %dma_wait3A_214 : memref<1x125xi32, #tpu.memory_space<vmem>> -> memref<125xi32, #tpu.memory_space<vmem>>
    %dma_wait3A_216 = arith.constant 0 : i32
    %dma_wait3A_217 = arith.constant 0 : i32
    %dma_wait3A_218 = tpu.memref_slice %arg14[%dma_wait3A_216, %dma_wait3A_217] : memref<10000x64xf32, #tpu.memory_space<vmem_shared>> -> memref<10000x64xf32, #tpu.memory_space<vmem_shared>>
    tpu.wait_indirect_dma semaphore(%arg20 : memref<!tpu.dma_semaphore, #tpu.memory_space<semaphore_mem>>) src(%arg10 : memref<125x64xf32, #tpu.memory_space<vmem>>) dst(%dma_wait3A_218 : memref<10000x64xf32, #tpu.memory_space<vmem_shared>>)
    %dma_wait3A_219 = arith.constant 79 : i32
    %dma_wait3A_220 = arith.constant 0 : i32
    %dma_wait3A_221 = tpu.memref_slice %arg8[%dma_wait3A_219, %dma_wait3A_220] : memref<80x125xi32, #tpu.memory_space<vmem>> -> memref<1x125xi32, #tpu.memory_space<vmem>>
    %dma_wait3A_222 = tpu.memref_squeeze %dma_wait3A_221 : memref<1x125xi32, #tpu.memory_space<vmem>> -> memref<125xi32, #tpu.memory_space<vmem>>
    %dma_wait3A_223 = arith.constant 0 : i32
    %dma_wait3A_224 = arith.constant 0 : i32
    %dma_wait3A_225 = tpu.memref_slice %arg14[%dma_wait3A_223, %dma_wait3A_224] : memref<10000x64xf32, #tpu.memory_space<vmem_shared>> -> memref<10000x64xf32, #tpu.memory_space<vmem_shared>>
    tpu.wait_indirect_dma semaphore(%arg21 : memref<!tpu.dma_semaphore, #tpu.memory_space<semaphore_mem>>) src(%arg11 : memref<125x64xf32, #tpu.memory_space<vmem>>) dst(%dma_wait3A_225 : memref<10000x64xf32, #tpu.memory_space<vmem_shared>>)
    %dma_wait3A_226 = arith.constant 79 : i32
    %dma_wait3A_227 = arith.constant 0 : i32
    %dma_wait3A_228 = tpu.memref_slice %arg8[%dma_wait3A_226, %dma_wait3A_227] : memref<80x125xi32, #tpu.memory_space<vmem>> -> memref<1x125xi32, #tpu.memory_space<vmem>>
    %dma_wait3A_229 = tpu.memref_squeeze %dma_wait3A_228 : memref<1x125xi32, #tpu.memory_space<vmem>> -> memref<125xi32, #tpu.memory_space<vmem>>
    %dma_wait3A_230 = arith.constant 0 : i32
    %dma_wait3A_231 = arith.constant 0 : i32
    %dma_wait3A_232 = tpu.memref_slice %arg14[%dma_wait3A_230, %dma_wait3A_231] : memref<10000x64xf32, #tpu.memory_space<vmem_shared>> -> memref<10000x64xf32, #tpu.memory_space<vmem_shared>>
    tpu.wait_indirect_dma semaphore(%arg22 : memref<!tpu.dma_semaphore, #tpu.memory_space<semaphore_mem>>) src(%arg12 : memref<125x64xf32, #tpu.memory_space<vmem>>) dst(%dma_wait3A_232 : memref<10000x64xf32, #tpu.memory_space<vmem_shared>>)
    %barrier3A_233 = arith.constant 0 : index
    tpu.barrier barrier_id(%barrier3A_233)
    %lt3A_234 = arith.constant 15 : i32
    %lt3A_235 = arith.cmpi slt, %arg1, %lt3A_234 : i32
    %convert_element_type3A_236 = arith.extui %lt3A_235 : i1 to i32
    %cond3A_237 = arith.constant 0 : i32
    %cond3A_238 = arith.cmpi ne, %convert_element_type3A_236, %cond3A_237 : i32
    scf.if %cond3A_238 {
      %mul3A_244 = arith.constant 624 : i32
      %mul3A_245 = arith.muli %arg1, %mul3A_244 : i32
      %mul3A_246 = arith.constant 10000 : i32
      %mul3A_247 = arith.muli %add3A_128, %mul3A_246 : i32
      %mul3A_248 = arith.constant 624 : i32
      %mul3A_249 = arith.muli %arg1, %mul3A_248 : i32
      %add3A_250 = arith.addi %mul3A_247, %mul3A_249 : i32
      "tpu.region"() ({
        %run_scoped3A_251 = tpu.sem_alloc : memref<!tpu.dma_semaphore, #tpu.memory_space<semaphore_mem>>
        %dma_start3A_252 = arith.constant 0 : i32
        %dma_start3A_253 = tpu.memref_slice %arg4[%add3A_250, %dma_start3A_252] : memref<40000x64xf32, #tpu.memory_space<hbm>> -> memref<624x64xf32, #tpu.memory_space<hbm>>
        %dma_start3A_254 = arith.constant 0 : i32
        %dma_start3A_255 = tpu.memref_slice %arg14[%mul3A_245, %dma_start3A_254] : memref<10000x64xf32, #tpu.memory_space<vmem_shared>> -> memref<624x64xf32, #tpu.memory_space<vmem_shared>>
        tpu.enqueue_dma source(%dma_start3A_255 : memref<624x64xf32, #tpu.memory_space<vmem_shared>>) target(%dma_start3A_253 : memref<624x64xf32, #tpu.memory_space<hbm>>) target_semaphore(%run_scoped3A_251 : memref<!tpu.dma_semaphore, #tpu.memory_space<semaphore_mem>>)
        %dma_wait3A_256 = arith.constant 0 : i32
        %dma_wait3A_257 = tpu.memref_slice %arg4[%add3A_250, %dma_wait3A_256] : memref<40000x64xf32, #tpu.memory_space<hbm>> -> memref<624x64xf32, #tpu.memory_space<hbm>>
        %dma_wait3A_258 = arith.constant 0 : i32
        %dma_wait3A_259 = tpu.memref_slice %arg14[%mul3A_245, %dma_wait3A_258] : memref<10000x64xf32, #tpu.memory_space<vmem_shared>> -> memref<624x64xf32, #tpu.memory_space<vmem_shared>>
        tpu.wait_dma2 semaphore(%run_scoped3A_251 : memref<!tpu.dma_semaphore, #tpu.memory_space<semaphore_mem>>) src(%dma_wait3A_259 : memref<624x64xf32, #tpu.memory_space<vmem_shared>>) dst(%dma_wait3A_257 : memref<624x64xf32, #tpu.memory_space<hbm>>)
        tpu.yield
      }) : () -> ()
    } else {
    }
    %eq3A_239 = arith.constant 15 : i32
    %eq3A_240 = arith.cmpi eq, %arg1, %eq3A_239 : i32
    %convert_element_type3A_241 = arith.extui %eq3A_240 : i1 to i32
    %cond3A_242 = arith.constant 0 : i32
    %cond3A_243 = arith.cmpi ne, %convert_element_type3A_241, %cond3A_242 : i32
    scf.if %cond3A_243 {
      %mul3A_244 = arith.constant 10000 : i32
      %mul3A_245 = arith.muli %add3A_128, %mul3A_244 : i32
      %add3A_246 = arith.constant 9360 : i32
      %add3A_247 = arith.addi %mul3A_245, %add3A_246 : i32
      "tpu.region"() ({
        %run_scoped3A_248 = tpu.sem_alloc : memref<!tpu.dma_semaphore, #tpu.memory_space<semaphore_mem>>
        %dma_start3A_249 = arith.constant 0 : i32
        %dma_start3A_250 = tpu.memref_slice %arg4[%add3A_247, %dma_start3A_249] : memref<40000x64xf32, #tpu.memory_space<hbm>> -> memref<640x64xf32, #tpu.memory_space<hbm>>
        %dma_start3A_251 = arith.constant 9360 : i32
        %dma_start3A_252 = arith.constant 0 : i32
        %dma_start3A_253 = tpu.memref_slice %arg14[%dma_start3A_251, %dma_start3A_252] : memref<10000x64xf32, #tpu.memory_space<vmem_shared>> -> memref<640x64xf32, #tpu.memory_space<vmem_shared>>
        tpu.enqueue_dma source(%dma_start3A_253 : memref<640x64xf32, #tpu.memory_space<vmem_shared>>) target(%dma_start3A_250 : memref<640x64xf32, #tpu.memory_space<hbm>>) target_semaphore(%run_scoped3A_248 : memref<!tpu.dma_semaphore, #tpu.memory_space<semaphore_mem>>)
        %dma_wait3A_254 = arith.constant 0 : i32
        %dma_wait3A_255 = tpu.memref_slice %arg4[%add3A_247, %dma_wait3A_254] : memref<40000x64xf32, #tpu.memory_space<hbm>> -> memref<640x64xf32, #tpu.memory_space<hbm>>
        %dma_wait3A_256 = arith.constant 9360 : i32
        %dma_wait3A_257 = arith.constant 0 : i32
        %dma_wait3A_258 = tpu.memref_slice %arg14[%dma_wait3A_256, %dma_wait3A_257] : memref<10000x64xf32, #tpu.memory_space<vmem_shared>> -> memref<640x64xf32, #tpu.memory_space<vmem_shared>>
        tpu.wait_dma2 semaphore(%run_scoped3A_248 : memref<!tpu.dma_semaphore, #tpu.memory_space<semaphore_mem>>) src(%dma_wait3A_258 : memref<640x64xf32, #tpu.memory_space<vmem_shared>>) dst(%dma_wait3A_255 : memref<640x64xf32, #tpu.memory_space<hbm>>)
        tpu.yield
      }) : () -> ()
    } else {
    }
    return
  }
}

module attributes {stable_mosaic.version = 14 : i64} {
  func.func @_mm_body(%arg0: i32, %arg1: memref<5000x64xf32, #tpu.memory_space<vmem>>, %arg2: memref<5000x64xf32, #tpu.memory_space<vmem>>, %arg3: memref<5000x64xf32, #tpu.memory_space<vmem>>, %arg4: memref<5000x64xf32, #tpu.memory_space<vmem>>, %arg5: memref<256x512xf32, #tpu.memory_space<vmem>>, %arg6: memref<5000x512xf32, #tpu.memory_space<vmem>>) attributes {dimension_semantics = [#tpu.dimension_semantics<arbitrary>], iteration_bounds = array<i64: 2>, scalar_prefetch = 0 : i64, scratch_operands = 0 : i64, tpu.core_type = #tpu.core_type<tc>, window_params = [{transform_indices = @transform_0, window_bounds = array<i64: 5000, 64>}, {transform_indices = @transform_1, window_bounds = array<i64: 5000, 64>}, {transform_indices = @transform_2, window_bounds = array<i64: 5000, 64>}, {transform_indices = @transform_3, window_bounds = array<i64: 5000, 64>}, {pipeline_mode = #tpu.pipeline_mode<synchronous>, transform_indices = @transform_4, window_bounds = array<i64: 256, 512>}, {transform_indices = @transform_5, window_bounds = array<i64: 5000, 512>}]} {
    %get3A = arith.constant 0 : index
    %get3A_0 = arith.constant 0 : index
    %get3A_1 = vector.load %arg1[%get3A, %get3A_0] : memref<5000x64xf32, #tpu.memory_space<vmem>>, vector<5000x64xf32>
    %get3A_2 = arith.constant 0 : index
    %get3A_3 = arith.constant 0 : index
    %get3A_4 = vector.load %arg2[%get3A_2, %get3A_3] : memref<5000x64xf32, #tpu.memory_space<vmem>>, vector<5000x64xf32>
    %get3A_5 = arith.constant 0 : index
    %get3A_6 = arith.constant 0 : index
    %get3A_7 = vector.load %arg3[%get3A_5, %get3A_6] : memref<5000x64xf32, #tpu.memory_space<vmem>>, vector<5000x64xf32>
    %get3A_8 = arith.constant 0 : index
    %get3A_9 = arith.constant 0 : index
    %get3A_10 = vector.load %arg4[%get3A_8, %get3A_9] : memref<5000x64xf32, #tpu.memory_space<vmem>>, vector<5000x64xf32>
    %concatenate3A = tpu.concatenate %get3A_1, %get3A_4, %get3A_7, %get3A_10 in 1 : vector<5000x64xf32>, vector<5000x64xf32>, vector<5000x64xf32>, vector<5000x64xf32> -> vector<5000x256xf32>
    %get3A_11 = arith.constant 0 : index
    %get3A_12 = arith.constant 0 : index
    %get3A_13 = vector.load %arg5[%get3A_11, %get3A_12] : memref<256x512xf32, #tpu.memory_space<vmem>>, vector<256x512xf32>
    %dot_general3A = arith.constant dense<0.000000e+00> : vector<5000x512xf32>
    %dot_general3A_14 = tpu.matmul %concatenate3A, %get3A_13, %dot_general3A {dimension_numbers = #tpu.dot_dimension_numbers<[1], [0], [0], [1], [0, 0, 1, 1], [], []>, transpose_lhs_hint = false} : vector<5000x256xf32>, vector<256x512xf32>, vector<5000x512xf32> -> vector<5000x512xf32>
    %swap3A = arith.constant 0 : index
    %swap3A_15 = arith.constant 0 : index
    %swap3A_16 = vector.load %arg6[%swap3A, %swap3A_15] : memref<5000x512xf32, #tpu.memory_space<vmem>>, vector<5000x512xf32>
    tpu.vector_store %arg6[%swap3A, %swap3A_15], %dot_general3A_14 {strides = array<i32>} : memref<5000x512xf32, #tpu.memory_space<vmem>>, vector<5000x512xf32>,
    return
  }
  func.func @transform_0(%arg0: i32) -> (i32, i32) {
    %add3A = arith.constant 0 : i32
    %add3A_0 = arith.addi %arg0, %add3A : i32
    %c0_i32 = arith.constant 0 : i32
    %c0_i32_1 = arith.constant 0 : i32
    return %add3A_0, %c0_i32 : i32, i32
  }
  func.func @transform_1(%arg0: i32) -> (i32, i32) {
    %add3A = arith.constant 2 : i32
    %add3A_0 = arith.addi %arg0, %add3A : i32
    %c0_i32 = arith.constant 0 : i32
    %c0_i32_1 = arith.constant 0 : i32
    return %add3A_0, %c0_i32 : i32, i32
  }
  func.func @transform_2(%arg0: i32) -> (i32, i32) {
    %add3A = arith.constant 4 : i32
    %add3A_0 = arith.addi %arg0, %add3A : i32
    %c0_i32 = arith.constant 0 : i32
    %c0_i32_1 = arith.constant 0 : i32
    return %add3A_0, %c0_i32 : i32, i32
  }
  func.func @transform_3(%arg0: i32) -> (i32, i32) {
    %add3A = arith.constant 6 : i32
    %add3A_0 = arith.addi %arg0, %add3A : i32
    %c0_i32 = arith.constant 0 : i32
    %c0_i32_1 = arith.constant 0 : i32
    return %add3A_0, %c0_i32 : i32, i32
  }
  func.func @transform_4(%arg0: i32) -> (i32, i32) {
    %c0_i32 = arith.constant 0 : i32
    %c0_i32_0 = arith.constant 0 : i32
    %c0_i32_1 = arith.constant 0 : i32
    return %c0_i32, %c0_i32_0 : i32, i32
  }
  func.func @transform_5(%arg0: i32) -> (i32, i32) {
    %c0_i32 = arith.constant 0 : i32
    %c0_i32_0 = arith.constant 0 : i32
    return %arg0, %c0_i32 : i32, i32
  }
}

</mosaic_0001>

<sc_bundles>
// kernel: kernel.4.cloned.1.call-start
scs
__scs_entry_jumppad:
0x0: {  	(pc) =	sbr.rel $0x88, $3  }
0x1: {  	(tag) =	ssettag $0x0;
	lr =	simm.s32 $0x1  }
0x2: {  	[smem:$0x3F9E] =	sst lr;
	_ =	strace $0xD0000000  }
0x3: {  	_ = 	snop  }
0x4: {  	_ = 	snop  }
0x5: {  	_ = 	snop  }
0x6: {  	_ = 	snop  }
0x7: {  	_ = 	snop  }
__scs_overlays_trampoline_lowered:
0x8: {  	[smem:$0x3FAD] =	sst s0  }
0x9: {  	[smem:$0x3FAE] =	sst s1  }
0xa: {  	[smem:$0x3FAF] =	sst s2  }
0xb: {  	[smem:$0x3FB0] =	sst s3  }
0xc: {  	[smem:$0x3FB1] =	sst s4  }
0xd: {  	[smem:$0x3FB2] =	sst s5  }
0xe: {  	[smem:$0x3FB3] =	sst s6  }
0xf: {  	[smem:$0x3FB4] =	sst s7  }
0x10: {  	[smem:$0x3FB5] =	sst s8  }
0x11: {  	[smem:$0x3FB6] =	sst s9;
	s0 =	simm.s32 @!p0 $0x0  }
0x12: {  	s1 =	sld [smem:$0x3F9C];
	s0 =	simm.s32 @p0 $0x1  }
0x13: {  	[smem:$0x3FB7] =	sst s0;
	s0 =	simm.s32 @!p1 $0x0  }
0x14: {  	s2 =	sld [smem:$0x3F9B];
	s0 =	simm.s32 @p1 $0x1  }
0x15: {  	[smem:$0x3FB8] =	sst s0;
	s0 =	simm.s32 @!p2 $0x0  }
0x16: {  	s3 =	sld [smem:$0x3FDB];
	s0 =	simm.s32 @p2 $0x1  }
0x17: {  	s4 =	simm.s32 $0x1BF5;
	[smem:$0x3FBA] =	sst s0  }
0x18: {  	s0 =	sld [smem:$0x3F9D];
	_ =	swait.ge [sflag:s4], $0x0  }
0x19: {  	s7 =	sld [smem:$0x3F9E]  }
0x1a: {  	s8 =	sadd.s32 $0xFFFFE003, lr  }
0x1b: {  	s9 =	sadd.s32 $0xFFFFFEF7, lr;
	s5 =	simm.s32 $0xFFFFFFFF;
	p2 =	slt.u32 s8, $0xFFFFF086  }
0x1c: {  	p1 =	slt.u32 s9, $0xF7A;
	s5 =	simm.s32 @!p2 $0x0  }
0x1d: {  	s5 =	simm.s32 @p1 $0x1;
	p0 =	seq.s32 s7, s2  }
0x1e: {  	s7 =	smul.u32 @!p0 $0xF7A, s2;
	p2 =	seq.s32 @!p0 s5, $0x0  }
0x1f: {  	s9 =	smul.u32 $0xF7A, s1;
	s8 =	simm.s32 @!p0 $0x1BF5;
	p2 =	por !p2, p0  }
0x20: {  	[sflag:s8] =	ssyncset.s32 @!p0 $0xFFFFF086;
	s6 =	sadd.s32 @!p0 s3, s7;
	s7 =	simm.s32 @!p0 $0x108  }
0x21: {  	s3 =	sadd.s32 s3, s9;
	s6 =	sadd.s32 @!p0 $0x88, s6;
	s7 =	simm.s32 @p2 $0x1082  }
0x22: {  	[simem:s7], [sflag:s8] =	dma.local @!p0 [hbm:s6], $0xF7A  }
0x23: {  	s9 =	sor.u32 $0xD0000000, s2;
	s6 =	simm.s32 $0x108;
	_ =	swait.ge @!p0 [sflag:s8], $0x0  }
0x24: {  	s3 =	sadd.s32 $0x88, s3;
	s6 =	simm.s32 @!p1 $0x1082;
	[sflag:s4] =	ssyncset.s32 $0xFFFFF086  }
0x25: {  	[simem:s6], [sflag:s4] =	dma.local [hbm:s3], $0xF7A  }
0x26: {  	[smem:$0x3F9E] =	sst s1;
	(tag) =	ssettag s2;
	_ =	strace s9  }
0x27: {  	s1 =	sld [smem:$0x3FAE]  }
0x28: {  	s2 =	sld [smem:$0x3FAF]  }
0x29: {  	s4 =	sld [smem:$0x3FB1]  }
0x2a: {  	p0 =	seq.s32 s5, $0x0;
	s5 =	sld [smem:$0x3FB2]  }
0x2b: {  	s6 =	sld [smem:$0x3FB3]  }
0x2c: {  	s7 =	sld [smem:$0x3FB4]  }
0x2d: {  	s3 =	simm.s32 $0x108;
	s8 =	sld [smem:$0x3FB5]  }
0x2e: {  	s3 =	simm.s32 @!p0 $0x1082;
	s9 =	sld [smem:$0x3FB6]  }
0x2f: {  	lr =	sadd.s32 s0, s3;
	s0 =	sld [smem:$0x3FAD]  }
0x30: {  	s3 =	sld [smem:$0x3FB0]  }
0x31: {  	[smem:$0x3FB9] =	sst s10  }
0x32: {  	s10 =	sld [smem:$0x3FB7];
	_ =	sdelay $0x3  }
0x33: {  	p0 =	seq.s32 s10, $0x1;
	s10 =	sld [smem:$0x3FB9];
	_ =	sdelay $0x3  }
0x34: {  	[smem:$0x3FB9] =	sst s10  }
0x35: {  	s10 =	sld [smem:$0x3FB8];
	_ =	sdelay $0x3  }
0x36: {  	p1 =	seq.s32 s10, $0x1;
	s10 =	sld [smem:$0x3FB9];
	_ =	sdelay $0x3  }
0x37: {  	[smem:$0x3FB9] =	sst s10  }
0x38: {  	s10 =	sld [smem:$0x3FBA]  }
0x39: {  	_ = 	snop;
	(pc) =	sbr.ind lr, $3  }
0x3a: {  	_ = 	snop  }
0x3b: {  	_ = 	snop  }
0x3c: {  	p2 =	seq.s32 s10, $0x1;
	s10 =	sld [smem:$0x3FB9]  }
0x3d: {  	_ =	shalt  }
0x3e: {  	_ =	shalt  }
0x3f: {  	_ =	shalt  }
0x40: {  	_ =	shalt  }
0x41: {  	_ =	shalt  }
0x42: {  	_ =	shalt  }
0x43: {  	_ =	shalt  }
0x44: {  	_ =	shalt  }
0x45: {  	_ =	shalt  }
0x46: {  	_ =	shalt  }
0x47: {  	_ =	shalt  }
0x48: {  	_ =	shalt  }
0x49: {  	_ =	shalt  }
0x4a: {  	_ =	shalt  }
0x4b: {  	_ =	shalt  }
0x4c: {  	_ =	shalt  }
0x4d: {  	_ =	shalt  }
0x4e: {  	_ =	shalt  }
0x4f: {  	_ =	shalt  }
0x50: {  	_ =	shalt  }
0x51: {  	_ =	shalt  }
0x52: {  	_ =	shalt  }
0x53: {  	_ =	shalt  }
0x54: {  	_ =	shalt  }
0x55: {  	_ =	shalt  }
0x56: {  	_ =	shalt  }
0x57: {  	_ =	shalt  }
0x58: {  	_ =	shalt  }
0x59: {  	_ =	shalt  }
0x5a: {  	_ =	shalt  }
0x5b: {  	_ =	shalt  }
0x5c: {  	_ =	shalt  }
0x5d: {  	_ =	shalt  }
0x5e: {  	_ =	shalt  }
0x5f: {  	_ =	shalt  }
0x60: {  	_ =	shalt  }
0x61: {  	_ =	shalt  }
0x62: {  	_ =	shalt  }
0x63: {  	_ =	shalt  }
0x64: {  	_ =	shalt  }
0x65: {  	_ =	shalt  }
0x66: {  	_ =	shalt  }
0x67: {  	_ =	shalt  }
0x68: {  	_ =	shalt  }
0x69: {  	_ =	shalt  }
0x6a: {  	_ =	shalt  }
0x6b: {  	_ =	shalt  }
0x6c: {  	_ =	shalt  }
0x6d: {  	_ =	shalt  }
0x6e: {  	_ =	shalt  }
0x6f: {  	_ =	shalt  }
0x70: {  	_ =	shalt  }
0x71: {  	_ =	shalt  }
0x72: {  	_ =	shalt  }
0x73: {  	_ =	shalt  }
0x74: {  	_ =	shalt  }
0x75: {  	_ =	shalt  }
0x76: {  	_ =	shalt  }
0x77: {  	_ =	shalt  }
0x78: {  	_ =	shalt  }
0x79: {  	_ =	shalt  }
0x7a: {  	_ =	shalt  }
0x7b: {  	_ =	shalt  }
0x7c: {  	_ =	shalt  }
0x7d: {  	_ =	shalt  }
0x7e: {  	_ =	shalt  }
0x7f: {  	_ =	shalt  }
0x80: {  	_ =	shalt  }
0x81: {  	_ =	shalt  }
0x82: {  	_ =	shalt  }
0x83: {  	_ =	shalt  }
0x84: {  	_ =	shalt  }
0x85: {  	_ =	shalt  }
0x86: {  	_ =	shalt  }
0x87: {  	_ =	shalt  }
.Lfunc_end0:
.L_simem_size_0:
called_computation_lowered:
.L_overlay_start_0:
0x88: {  	s2 =	sld [smem:$0x3FD9]  }
0x89: {  	s3 =	sld [smem:$0x3FFE];
	_ =	sdelay $0x1  }
0x8a: {  	s1 =	srdreg.scid  }
0x8b: {  	s0 =	sand.u32 $0x1, s1  }
0x8c: {  	s17 =	sshll.u32 s0, $0xA;
	s2 =	sadd.s32 s3, s2  }
0x8d: {  	s2 =	sadd.s32 s2, s17  }
0x8e: {  	[smem:$0x3FC5] =	sst s2  }
0x8f: {  	_ = 	snop  }
0x90: {  	s2 =	sld [smem:$0x3FD0];
	(tm) =	ssettm $0x1  }
0x91: {  	s18 =	sld [smem:$0x3FFB];
	_ =	sdelay $0x3  }
0x92: {  	_ =	strace s18  }
0x93: {  	s3 =	sld [smem:$0x3FFC];
	_ =	sdelay $0x3  }
0x94: {  	_ =	strace s3  }
0x95: {  	s3 =	sld [smem:$0x3FFD];
	_ =	sdelay $0x3  }
0x96: {  	_ =	strace s3  }
0x97: {  	_ =	strace $0x8FFFFFFF  }
0x98: {  	s19 =	sld [smem:$0x3FDB];
	_ =	sdelay $0x1  }
0x99: {  	s4 =	simm.s32 $_scs_section_size  }
0x9a: {  	s5 =	simm.s32 $_size__tile_overlayer_lowered;
	s6 =	simm.s32 $_tile_overlayer_lowered  }
0x9b: {  	s22 =	simm.s32 $0x1BFF;
	s21 =	sshll.u32 s6, $0x1;
	s3 =	sadd.s32 s4, s19  }
0x9c: {  	s7 =	simm.s32 $0x0;
	s20 =	sshll.u32 s5, $0x1;
	s5 =	sadd.s32 s21, s3  }
0x9d: {  	[timem:s7], [sflag:s22] =	dma.local [hbm:s5], s20  }
0x9e: {  	_ =	swait.ge [sflag:s22], s20  }
0x9f: {  	s4 =	ssub.s32 $0x0, s20;
	[sflag:s22] =	ssyncset.done $0x0  }
0xa0: {  	[sflag:s22] =	ssyncadd.s32 s4;
	_ =	sdelay $0x1  }
0xa1: {  	s23 =	simm.s32 $0x1B8B  }
0xa2: {  	_ =	swait.ge [sflag:s23], $0x1  }
0xa3: {  	[sflag:s23] =	ssyncset.done $0x0  }
0xa4: {  	s25 =	simm.s32 $0x1B8E;
	s24 =	sld [smem:$0x3FFE];
	[sflag:s23] =	ssyncadd.s32 $0xFFFFFFFF  }
0xa5: {  	s26 =	simm.s32 $execute0_lowered;
	[smem:$0x3FD2] =	sst s25  }
0xa6: {  	s5 =	sshll.u32 s26, $0x1;
	_ =	strace $0x80000046;
	[dreg:$0x1] =	wrdreg $0xFFFFFFFF  }
0xa7: {  	s28 =	simm.s32 $_size_execute0_lowered;
	s3 =	sadd.s32 s3, s5;
	[dreg:$0x0] =	wrdreg $0x0  }
0xa8: {  	s5 =	sshll.u32 s28, $0x1;
	[dreg:$0x2] =	wrdreg s3  }
0xa9: {  	[dreg:$0x3] =	wrdreg s5  }
0xaa: {  	[dreg:$0x4] =	wrdreg $0xC0  }
0xab: {  	_ =	task [dreg:s7], $0x5FFFF  }
0xac: {  	[dreg:$0x1] =	wrdreg $0xFFFFFFFF  }
0xad: {  	[dreg:$0x0] =	wrdreg $0x60  }
0xae: {  	[dreg:$0x2] =	wrdreg s2  }
0xaf: {  	[dreg:$0x3] =	wrdreg s24  }
0xb0: {  	[dreg:$0x4] =	wrdreg $0x151000  }
0xb1: {  	[dreg:$0x5] =	wrdreg $0x9  }
0xb2: {  	_ =	task.clear_ibuf [dreg:s7], $0x6FFFF;
	_ =	strace $0x90000046  }
0xb3: {  	s29 =	simm.s32 $0x9;
	_ =	strace $0x80000048  }
0xb4: {  	_ =	swait.ge [sflag:s29], $0x1  }
0xb5: {  	[sflag:s29] =	ssyncadd.s32 $0xFFFFFFFF  }
0xb6: {  	_ =	strace $0x90000048  }
0xb7: {  	_ =	sfence  }
0xb8: {  	s30 =	sld [smem:$0x0];
	_ =	sdelay $0x2  }
0xb9: {  	s31 =	sshll.u32 s1, $0xD;
	s1 =	sshrl.u32 s1, $0x2  }
0xba: {  	s3 =	sand.u32 $0x4000, s31;
	s1 =	sadd.s32 s1, s30  }
0xbb: {  	s0 =	sor.u32 s3, s0;
	s1 =	sshll.u32 s1, $0x11  }
0xbc: {  	s0 =	sor.u32 s1, s0  }
0xbd: {  	s0 =	sadd.s32 $0x8F2B, s0  }
0xbe: {  	[sflag:s0] =	ssyncadd.remote.s32 $0x1  }
0xbf: {  	_ =	sfence.sel $0xFFFF  }
0xc0: {  	[dreg:$0x0] =	wrdreg $0xFFFFFFFF;
	(pc) =	sbr.abs _section_cstart, $3  }
0xc1: {  	[dreg:$0x1] =	wrdreg $0xFFFFFFFF  }
0xc2: {  	_ =	task.clear_ibuf [dreg:s7], $0x2FFFF;
	_ =	strace $0x9FFFFFFF  }
0xc3: {  	(tm) =	ssettm $0x7FFFFFFF  }
tec
execute0_lowered:
.L_overlay_start_1:
0x0: {  	(tag) =	ssettag $0x1  }
0x1: {  	s1 =	rddreg [dreg:$0x0]  }
0x2: {  	s0 =	rddreg [dreg:$0x1]  }
0x3: {  	s3 =	rddreg [dreg:$0x2];
	s2 =	simm.s32 $0x0  }
0x4: {  	s14 =	stileid.u32;
	s4 =	srdreg.scid;
	s16 =	simm.s32 $0x7800  }
0x5: {  	s28 =	simm.s32 $0xDE80;
	s30 =	simm.s32 $0xFDC0;
	s17 =	smul.u32 $0x2800, s14  }
0x6: {  	s31 =	simm.s32 $0x1;
	s29 =	simm.s32 $0x6;
	s6 =	smul.u32 $0x27000, s14  }
0x7: {  	[smem:$0x7FF] =	sst s2;
	s4 =	sand.u32 $0x1, s4;
	s19 =	smul.u32 $0x270, s14  }
0x8: {  	s10 =	sadd.s32 $0x9C000, s3;
	s25 =	sadd.s32 $0x92400, s3;
	p0 =	sne.s32 s14, $0xF  }
0x9: {  	p1 =	seq.s32 s14, $0xF;
	_ =	strace $0x80000047;
	s20 =	smul.u32 $0x4E20, s4  }
0xa: {  	s5 =	ssub.s32 $0x2, s4;
	s11 =	smul.u32 $0x138800, s4;
	s12 =	sshllo.u32 s4, $0x1  }
0xb: {  	s13 =	sshll.u32 s4, $0x1;
	[dreg:$0x8] =	wrdreg s25;
	s25 =	simm.s32 $0xBF40  }
0xc: {  	s2 =	sshrl.u32 s17, $0x3;
	s7 =	sshrl.u32 s5, $0x1;
	s22 =	smul.u32 $0x2710, s12  }
0xd: {  	s6 =	sshrl.u32 s6, $0x2;
	s12 =	smul.u32 $0x9C400, s12;
	s17 =	simm.s32 $0xA  }
0xe: {  	s2 =	sadd.s32 s2, s0;
	s0 =	sadd.s32 $0xA600, s0;
	s5 =	ssub.s32 s5, s7  }
0xf: {  	s7 =	sadd.s32 s6, s3;
	s21 =	sadd.s32 s19, s20;
	s11 =	sshrl.u32 s11, $0x3  }
0x10: {  	s20 =	simm.s32 $0x9;
	s18 =	sadd.s32 $0x600, s2;
	s2 =	sadd.s32 $0x5600, s2  }
0x11: {  	s8 =	sadd.s32 $0x3400, s7;
	s9 =	sadd.s32 $0x6800, s7;
	s4 =	sshll.u32 s21, $0x3  }
0x12: {  	s23 =	sadd.s32 s0, s11;
	s24 =	sshrl.u32 s12, $0x3;
	s26 =	smax.u32 s5, $0x1  }
0x13: {  	s21 =	simm.s32 $0x7D;
	s5 =	simm.s32 $0x0;
	[dreg:$0x4] =	wrdreg s18  }
0x14: {  	[dreg:$0x5] =	wrdreg s2;
	s4 =	sadd.s32 s0, s4;
	s2 =	sadd.s32 s19, s22  }
0x15: {  	[dreg:$0xb] =	wrdreg s26;
	s22 =	simm.s32 $0x3;
	s26 =	simm.s32 $0x5  }
.Ltmp0:
0x16: {  	[dreg:$0x6] =	wrdreg s4;
	s4 =	sadd.s32 $0x12480, s23;
	(pc) =	sbr.rel .LBB2_1-.Ltmp0, $4  }
0x17: {  	s2 =	sshll.u32 s2, $0x3;
	s23 =	simm.s32 $0xA000;
	[dreg:$0x7] =	wrdreg s4  }
0x18: {  	s2 =	sadd.s32 s0, s2;
	s0 =	sadd.s32 s0, s24;
	s24 =	simm.s32 $0x4  }
0x19: {  	s4 =	simm.s32 $0x8;
	[dreg:$0x9] =	wrdreg s2;
	s0 =	sadd.s32 $0x12480, s0  }
0x1a: {  	v1 =	vimm.f32 $0.0e+00;
	v0 =	vmov s13;
	s2 =	simm.s32 $0x7;
	[dreg:$0xa] =	wrdreg s0;
	s0 =	simm.s32 $0x2  }
.LBB2_10:
0x1b: {  	_ =	swait.ge [sflag:s26], $0x1F40  }
0x1c: {  	[sflag:s26] =	ssyncset.done $0x0  }
0x1d: {  	[sflag:s26] =	ssyncadd.s32 $0xFFFFE0C0  }
0x1e: {  	_ =	swait.ge [sflag:s29], $0x1F40  }
0x1f: {  	[sflag:s29] =	ssyncset.done $0x0  }
0x20: {  	[sflag:s29] =	ssyncadd.s32 $0xFFFFE0C0  }
0x21: {  	_ =	swait.ge [sflag:s2], $0x1F40  }
0x22: {  	[sflag:s2] =	ssyncset.done $0x0  }
0x23: {  	[sflag:s2] =	ssyncadd.s32 $0xFFFFE0C0  }
0x24: {  	_ =	swait.ge [sflag:s4], $0x1F40  }
0x25: {  	[sflag:s4] =	ssyncset.done $0x0  }
0x26: {  	[sflag:s4] =	ssyncadd.s32 $0xFFFFE0C0  }
0x27: {  	[bflag:$0x0] =	sbarrier.arrive $0xFFFF  }
0x28: {  	s12 =	simm.s32 @p1 $0x1FCA;
	s13 =	rddreg [dreg:$0xa]  }
0x29: {  	[hbm:s13], [sflag:s12] =	dma.local @p1 [spmem:s6], $0x1400  }
0x2a: {  	s6 =	simm.s32 @p1 $0xA  }
0x2b: {  	_ =	swait.ge @p1 [sflag:s6], $0x1400  }
0x2c: {  	[sflag:s6] =	ssyncset.done @p1 $0x0  }
0x2d: {  	[sflag:s6] =	ssyncadd.s32 @p1 $0xFFFFEC00;
	s6 =	rddreg [dreg:$0x9]  }
0x2e: {  	[hbm:s6], [sflag:s11] =	dma.local @!p1 [spmem:s18], $0x1380  }
0x2f: {  	s6 =	simm.s32 @!p1 $0xA  }
0x30: {  	_ =	swait.ge @!p1 [sflag:s6], $0x1380  }
0x31: {  	s5 =	sadd.s32 $0x1, s5;
	s19 =	rddreg [dreg:$0xb]  }
0x32: {  	p2 =	sne.s32 s5, s19  }
.Ltmp1:
0x33: {  	_ = 	snop;
	(pc) =	sbr.rel @!p2 .LBB2_11-.Ltmp1, $3  }
0x34: {  	_ =	sdelay $0x1  }
0x35: {  	[sflag:s6] =	ssyncset.done @!p1 $0x0  }
0x36: {  	s16 =	simm.s32 $0x7800;
	[sflag:s6] =	ssyncadd.s32 @!p1 $0xFFFFEC80  }
.LBB2_1:
0x37: {  	s11 =	simm.s32 $0x100;
	s6 =	simm.s32 $0x0  }
.LBB2_2:
0x38: {  	p2 =	sne.s32 s11, $0xCF00;
	[tilespmem:s6+$0x11D30] =	vst v1;
	s12 =	smov.u32 s11;
	s11 =	sadd.s32 $0x100, s11  }
.Ltmp2:
0x39: {  	[tilespmem:s6+$0x11D20] =	vst v1;
	(pc) =	sbr.rel @p2 .LBB2_2-.Ltmp2, $3  }
0x3a: {  	[tilespmem:s6+$0x11D00] =	vst v1  }
0x3b: {  	[tilespmem:s6+$0x11D10] =	vst v1;
	_ =	sdelay $0x1  }
0x3c: {  	s6 =	sshra.s32 s12, $0x2  }
0x3d: {  	[tilespmem:s6+$0x11D30] =	vst v1  }
0x3e: {  	[tilespmem:s6+$0x11D20] =	vst v1  }
0x3f: {  	[tilespmem:s6+$0x11D00] =	vst v1  }
0x40: {  	[tilespmem:s6+$0x11D10] =	vst v1;
	s15 =	simm.s32 $0x0;
	s11 =	rddreg [dreg:$0x4]  }
0x41: {  	[tilespmem:s15], [sflag:$0xA] =	stream.linear.gather [hbm4b:s11+s15], $0x2800, $0x38;
	[tilespmem:$0x1ED40] =	vst v63  }
0x42: {  	_ =	swait.ge [sflag:s17], $0x2800  }
0x43: {  	[sflag:s17] =	ssyncset.done $0x0  }
0x44: {  	s18 =	rddreg [dreg:$0x5];
	[sflag:s17] =	ssyncadd.s32 $0xFFFFD800  }
0x45: {  	[tilespmem:s16], [sflag:$0xA] =	stream.linear.gather [hbm4b:s18+s15], $0x2800, $0x38;
	[tilespmem:$0x1ED40] =	vst v63  }
0x46: {  	_ =	swait.ge [sflag:s17], $0x2800  }
0x47: {  	[sflag:s17] =	ssyncset.done $0x0  }
0x48: {  	s19 =	simm.s32 $0x11D00;
	[sflag:s17] =	ssyncadd.s32 $0xFFFFD800  }
0x49: {  	[spmem:s7] =	stream.linear.scatter [tilespmem:s19], [sflag:$0x9], $0x3400, $0x38;
	[tilespmem:$0x1ED40] =	vst v63  }
0x4a: {  	_ = 	snop  }
0x4b: {  	[spmem:s8] =	stream.linear.scatter [tilespmem:s19], [sflag:$0x9], $0x3400, $0x38;
	[tilespmem:$0x1ED40] =	vst v63  }
0x4c: {  	_ = 	snop  }
0x4d: {  	[spmem:s9] =	stream.linear.scatter [tilespmem:s19], [sflag:$0x9], $0x3400, $0x38;
	[tilespmem:$0x1ED40] =	vst v63  }
0x4e: {  	s6 =	simm.s32 @!p0 $0x11D00  }
0x4f: {  	[spmem:s10] =	stream.linear.scatter @!p0 [tilespmem:s6], [sflag:$0x9], $0x400, $0x38;
	[tilespmem:$0x1ED40] =	vst v63  }
0x50: {  	s6 =	simm.s32 @!p0 $0x9  }
0x51: {  	_ =	swait.ge @!p0 [sflag:s6], $0x400  }
0x52: {  	[sflag:s6] =	ssyncset.done @!p0 $0x0  }
0x53: {  	s11 =	simm.s32 $0x0;
	[sflag:s6] =	ssyncadd.s32 @!p0 $0xFFFFFC00  }
0x54: {  	v2 =	vld [tilespmem:s11+$0x60]  }
0x55: {  	v5 =	vld [tilespmem:s11+$0x6D]  }
0x56: {  	v7 =	vld [tilespmem:s11+$0x0]  }
0x57: {  	v8 =	vld [tilespmem:s11+$0x10]  }
0x58: {  	v6 =	vld [tilespmem:s11+$0x20]  }
0x59: {  	v4 =	vld [tilespmem:s11+$0x30];
	v3 =	vshll.u32 v2, $0x2  }
0x5a: {  	v2 =	vld [tilespmem:s11+$0x40];
	v5 =	vshll.u32 v5, $0x2;
	v9 =	vor.u32 v0, v3  }
0x5b: {  	s6 =	simm.s32 $0x80;
	v7 =	vshll.u32 v7, $0x2;
	v3 =	vld [tilespmem:s11+$0x50];
	[tilespmem:s11+$0x2860] =	vst v9;
	v9 =	vor.u32 v0, v5  }
0x5c: {  	s12 =	simm.s32 $0x400;
	v8 =	vshll.u32 v8, $0x2;
	v7 =	vor.u32 v0, v7;
	v5 =	vld [tilespmem:s6+$0x60];
	[tilespmem:s11+$0x286D] =	vst v9  }
.LBB2_4:
0x5d: {  	p2 =	sne.s32 s12, $0x9E00;
	v9 =	vld [tilespmem:s6+$0x6D];
	[tilespmem:s11+$0x2800] =	vst v7;
	v7 =	vor.u32 v0, v8;
	v6 =	vshll.u32 v6, $0x2  }
0x5e: {  	v8 =	vld [tilespmem:s6+$0x0];
	[tilespmem:s11+$0x2810] =	vst v7;
	v6 =	vor.u32 v0, v6;
	v4 =	vshll.u32 v4, $0x2  }
0x5f: {  	v10 =	vld [tilespmem:s6+$0x10];
	[tilespmem:s11+$0x2820] =	vst v6;
	v4 =	vor.u32 v0, v4;
	v2 =	vshll.u32 v2, $0x2  }
.Ltmp3:
0x60: {  	v6 =	vld [tilespmem:s6+$0x20];
	[tilespmem:s11+$0x2830] =	vst v4;
	v2 =	vor.u32 v0, v2;
	v3 =	vshll.u32 v3, $0x2;
	(pc) =	sbr.rel @p2 .LBB2_4-.Ltmp3, $4  }
0x61: {  	v4 =	vld [tilespmem:s6+$0x30];
	v5 =	vshll.u32 v5, $0x2;
	[tilespmem:s11+$0x2840] =	vst v2;
	v3 =	vor.u32 v0, v3  }
0x62: {  	v2 =	vld [tilespmem:s6+$0x40];
	v5 =	vor.u32 v0, v5;
	v7 =	vshll.u32 v9, $0x2;
	[tilespmem:s11+$0x2850] =	vst v3;
	s11 =	smov.u32 s6  }
0x63: {  	s6 =	sshra.s32 s12, $0x2;
	v8 =	vshll.u32 v8, $0x2;
	v3 =	vld [tilespmem:s11+$0x50];
	[tilespmem:s11+$0x2860] =	vst v5;
	v9 =	vor.u32 v0, v7  }
0x64: {  	s12 =	sadd.s32 $0x200, s12;
	v5 =	vld [tilespmem:s6+$0x60];
	v7 =	vor.u32 v0, v8;
	v8 =	vshll.u32 v10, $0x2;
	[tilespmem:s11+$0x286D] =	vst v9  }
0x65: {  	v9 =	vld [tilespmem:s6+$0x6D];
	[tilespmem:s11+$0x2800] =	vst v7;
	v7 =	vor.u32 v0, v8;
	v6 =	vshll.u32 v6, $0x2  }
0x66: {  	v8 =	vld [tilespmem:s6+$0x0];
	[tilespmem:s11+$0x2810] =	vst v7;
	v6 =	vor.u32 v0, v6;
	v4 =	vshll.u32 v4, $0x2  }
0x67: {  	v7 =	vld [tilespmem:s6+$0x10];
	[tilespmem:s11+$0x2820] =	vst v6;
	v4 =	vor.u32 v0, v4;
	v2 =	vshll.u32 v2, $0x2  }
0x68: {  	v6 =	vld [tilespmem:s6+$0x20];
	[tilespmem:s11+$0x2830] =	vst v4;
	v2 =	vor.u32 v0, v2;
	v3 =	vshll.u32 v3, $0x2  }
0x69: {  	v4 =	vld [tilespmem:s6+$0x30];
	[tilespmem:s11+$0x2840] =	vst v2;
	v2 =	vor.u32 v0, v3;
	v5 =	vshll.u32 v5, $0x2  }
0x6a: {  	v3 =	vld [tilespmem:s6+$0x40];
	[tilespmem:s11+$0x2850] =	vst v2;
	v2 =	vor.u32 v0, v5;
	v5 =	vshll.u32 v9, $0x2  }
0x6b: {  	v63 =	vld [tilespmem:s6+$0x50];
	v8 =	vshll.u32 v8, $0x2;
	[tilespmem:s6+$0x2860] =	vst v2;
	v2 =	vor.u32 v0, v5  }
0x6c: {  	v5 =	vor.u32 v0, v8;
	v7 =	vshll.u32 v7, $0x2;
	[tilespmem:s6+$0x286D] =	vst v2  }
0x6d: {  	[tilespmem:s6+$0x2800] =	vst v5;
	v2 =	vor.u32 v0, v7;
	v5 =	vshll.u32 v6, $0x2  }
0x6e: {  	[tilespmem:s6+$0x2810] =	vst v2;
	v2 =	vor.u32 v0, v5;
	v4 =	vshll.u32 v4, $0x2  }
0x6f: {  	[tilespmem:s6+$0x2820] =	vst v2;
	v2 =	vor.u32 v0, v4;
	v3 =	vshll.u32 v3, $0x2  }
0x70: {  	[tilespmem:s6+$0x2830] =	vst v2;
	v2 =	vor.u32 v0, v3;
	v3 =	vshll.u32 v63, $0x2  }
0x71: {  	[tilespmem:s6+$0x2840] =	vst v2;
	v2 =	vor.u32 v0, v3  }
0x72: {  	[tilespmem:s6+$0x2850] =	vst v2  }
0x73: {  	_ =	swait.ge [sflag:s20], $0x3400  }
0x74: {  	[sflag:s20] =	ssyncset.done $0x0  }
0x75: {  	[sflag:s20] =	ssyncadd.s32 $0xFFFFCC00  }
0x76: {  	_ =	swait.ge [sflag:s20], $0x3400  }
0x77: {  	[sflag:s20] =	ssyncset.done $0x0  }
0x78: {  	[sflag:s20] =	ssyncadd.s32 $0xFFFFCC00  }
0x79: {  	_ =	swait.ge [sflag:s20], $0x3400  }
0x7a: {  	[sflag:s20] =	ssyncset.done $0x0  }
0x7b: {  	[sflag:s20] =	ssyncadd.s32 $0xFFFFCC00  }
0x7c: {  	s19 =	simm.s32 $0x2800;
	[bflag:$0x0] =	sbarrier.arrive $0xFFFF  }
0x7d: {  	[tilespmem:s23], [sflag:$0x1] =	stream.indirect.gather [hbm4b:s1+s21], $0x40, s19, s21, $0xb8;
	[tilespmem:$0x1ED40] =	vst v63  }
0x7e: {  	s11 =	simm.s32 $0x2880  }
0x7f: {  	[tilespmem:s25], [sflag:$0x2] =	stream.indirect.gather [hbm4b:s1+s21], $0x40, s11, s21, $0xb8;
	[tilespmem:$0x1ED40] =	vst v63  }
0x80: {  	s12 =	simm.s32 $0x2900  }
0x81: {  	[tilespmem:s28], [sflag:$0x3] =	stream.indirect.gather [hbm4b:s1+s21], $0x40, s12, s21, $0xb8;
	[tilespmem:$0x1ED40] =	vst v63  }
0x82: {  	s13 =	simm.s32 $0x2980  }
0x83: {  	[tilespmem:s30], [sflag:$0x4] =	stream.indirect.gather [hbm4b:s1+s21], $0x40, s13, s21, $0xb8;
	[tilespmem:$0x1ED40] =	vst v63  }
0x84: {  	_ =	swait.ge [sflag:s31], $0x1F40  }
0x85: {  	p2 =	por $0x1, $0x1;
	[sflag:s31] =	ssyncset.done $0x0  }
0x86: {  	s14 =	simm.s32 $0x7800;
	s11 =	simm.s32 @!p2 $0x8;
	[sflag:s31] =	ssyncadd.s32 $0xFFFFE0C0  }
0x87: {  	[spmem:s3] =	stream.indirect.scatter.add.f32 [tilespmem:s23], [sflag:$0x5], $0x40, s14, s21, $0xb8;
	[tilespmem:$0x1ED40] =	vst v63  }
0x88: {  	_ =	swait.ge @!p2 [sflag:s11], $0x1F40  }
0x89: {  	s6 =	simm.s32 @!p2 $0x2980;
	[sflag:s11] =	ssyncset.done @!p2 $0x0  }
0x8a: {  	s12 =	simm.s32 @!p2 $0xFDC0;
	[sflag:s11] =	ssyncadd.s32 @!p2 $0xFFFFE0C0;
	s11 =	simm.s32 @!p2 $0x7D  }
0x8b: {  	[tilespmem:s12], [sflag:$0x4] =	stream.indirect.gather @!p2 [hbm4b:s1+s11], $0x40, s6, s11, $0xb8;
	[tilespmem:$0x1ED40] =	vst v63  }
0x8c: {  	_ =	swait.ge [sflag:s0], $0x1F40  }
0x8d: {  	p2 =	por $0x0, $0x0;
	[sflag:s0] =	ssyncset.done $0x0  }
0x8e: {  	s15 =	simm.s32 $0x7880;
	s6 =	simm.s32 @!p2 $0x5;
	[sflag:s0] =	ssyncadd.s32 $0xFFFFE0C0  }
0x8f: {  	[spmem:s3] =	stream.indirect.scatter.add.f32 [tilespmem:s25], [sflag:$0x6], $0x40, s15, s21, $0xb8;
	[tilespmem:$0x1ED40] =	vst v63  }
0x90: {  	_ =	swait.ge @!p2 [sflag:s6], $0x1F40  }
0x91: {  	s11 =	simm.s32 @!p2 $0x2A00;
	[sflag:s6] =	ssyncset.done @!p2 $0x0  }
0x92: {  	s12 =	simm.s32 @!p2 $0x7D;
	[sflag:s6] =	ssyncadd.s32 @!p2 $0xFFFFE0C0;
	s6 =	simm.s32 @!p2 $0xA000  }
0x93: {  	[tilespmem:s6], [sflag:$0x1] =	stream.indirect.gather @!p2 [hbm4b:s1+s12], $0x40, s11, s12, $0xb8;
	[tilespmem:$0x1ED40] =	vst v63  }
0x94: {  	_ =	swait.ge [sflag:s22], $0x1F40  }
0x95: {  	[sflag:s22] =	ssyncset.done $0x0  }
0x96: {  	s18 =	simm.s32 $0x7900;
	s11 =	simm.s32 @!p2 $0x6;
	[sflag:s22] =	ssyncadd.s32 $0xFFFFE0C0  }
0x97: {  	[spmem:s3] =	stream.indirect.scatter.add.f32 [tilespmem:s28], [sflag:$0x7], $0x40, s18, s21, $0xb8;
	[tilespmem:$0x1ED40] =	vst v63  }
0x98: {  	_ =	swait.ge @!p2 [sflag:s11], $0x1F40  }
0x99: {  	[sflag:s11] =	ssyncset.done @!p2 $0x0  }
0x9a: {  	s6 =	simm.s32 @!p2 $0x2A80;
	[sflag:s11] =	ssyncadd.s32 @!p2 $0xFFFFE0C0;
	s11 =	simm.s32 @!p2 $0xBF40  }
0x9b: {  	[tilespmem:s11], [sflag:$0x2] =	stream.indirect.gather @!p2 [hbm4b:s1+s12], $0x40, s6, s12, $0xb8;
	[tilespmem:$0x1ED40] =	vst v63  }
0x9c: {  	_ =	swait.ge [sflag:s24], $0x1F40  }
0x9d: {  	[sflag:s24] =	ssyncset.done $0x0  }
0x9e: {  	s19 =	simm.s32 $0x7980;
	s11 =	simm.s32 @!p2 $0x7;
	[sflag:s24] =	ssyncadd.s32 $0xFFFFE0C0  }
0x9f: {  	[spmem:s3] =	stream.indirect.scatter.add.f32 [tilespmem:s30], [sflag:$0x8], $0x40, s19, s21, $0xb8;
	[tilespmem:$0x1ED40] =	vst v63  }
0xa0: {  	_ =	swait.ge @!p2 [sflag:s11], $0x1F40  }
0xa1: {  	s13 =	simm.s32 @!p2 $0x2B00;
	[sflag:s11] =	ssyncset.done @!p2 $0x0  }
0xa2: {  	s6 =	simm.s32 $0x0;
	[sflag:s11] =	ssyncadd.s32 @!p2 $0xFFFFE0C0;
	s11 =	simm.s32 @!p2 $0xDE80  }
0xa3: {  	[tilespmem:s11], [sflag:$0x3] =	stream.indirect.gather @!p2 [hbm4b:s1+s12], $0x40, s13, s12, $0xb8;
	[tilespmem:$0x1ED40] =	vst v63  }
0xa4: {  	v3 =	vld [tilespmem:s6+$0x29ED]  }
0xa5: {  	v2 =	vld [tilespmem:s6+$0x296D]  }
0xa6: {  	v5 =	vld [tilespmem:s6+$0x2960]  }
0xa7: {  	v6 =	vld [tilespmem:s6+$0x29E0]  }
0xa8: {  	s11 =	simm.s32 $0x800;
	v4 =	vld [tilespmem:s6+$0x2800]  }
.LBB2_6:
0xa9: {  	v7 =	vld [tilespmem:s6+$0x2810];
	s18 =	smov.u32 s11;
	s11 =	sadd.s32 $0x800, s11  }
0xaa: {  	p2 =	sne.s32 s11, $0xA000;
	v8 =	vld [tilespmem:s6+$0x2820]  }
0xab: {  	v9 =	vld [tilespmem:s6+$0x2860];
	v5 =	vadd.s32 $0x1, v5  }
0xac: {  	v10 =	vld [tilespmem:s6+$0x2830];
	v6 =	vadd.s32 $0x1, v6  }
0xad: {  	v3 =	vadd.s32 $0x1, v3;
	v4 =	vadd.s32 $0x1, v4;
	v11 =	vld [tilespmem:s6+$0x2840];
	[tilespmem:s6+$0x51E0] =	vst v6  }
0xae: {  	v6 =	vadd.s32 $0x1, v7;
	v7 =	vld [tilespmem:s6+$0x2850];
	[tilespmem:s6+$0x51ED] =	vst v3  }
0xaf: {  	v2 =	vadd.s32 $0x1, v2;
	v3 =	vadd.s32 $0x1, v8;
	v8 =	vld [tilespmem:s6+$0x286D];
	[tilespmem:s6+$0x5160] =	vst v5  }
0xb0: {  	v5 =	vld [tilespmem:s6+$0x2880];
	[tilespmem:s6+$0x516D] =	vst v2  }
0xb1: {  	[tilespmem:s6+$0x5020] =	vst v3;
	v2 =	vadd.s32 $0x1, v10;
	v3 =	vld [tilespmem:s6+$0x28ED]  }
0xb2: {  	[tilespmem:s6+$0x5010] =	vst v6;
	v6 =	vadd.s32 $0x1, v11;
	v10 =	vld [tilespmem:s6+$0x2890]  }
0xb3: {  	[tilespmem:s6+$0x5000] =	vst v4;
	v4 =	vadd.s32 $0x1, v7;
	v7 =	vld [tilespmem:s6+$0x28A0]  }
0xb4: {  	[tilespmem:s6+$0x5050] =	vst v4;
	v4 =	vld [tilespmem:s6+$0x28B0]  }
0xb5: {  	[tilespmem:s6+$0x5030] =	vst v2;
	v2 =	vadd.s32 $0x1, v5;
	v5 =	vld [tilespmem:s6+$0x28C0]  }
0xb6: {  	[tilespmem:s6+$0x5080] =	vst v2;
	v2 =	vld [tilespmem:s6+$0x28D0]  }
0xb7: {  	[tilespmem:s6+$0x5040] =	vst v6;
	v6 =	vadd.s32 $0x1, v10;
	v10 =	vld [tilespmem:s6+$0x2900]  }
0xb8: {  	[tilespmem:s6+$0x5090] =	vst v6;
	v6 =	vadd.s32 $0x1, v7;
	v7 =	vld [tilespmem:s6+$0x2910]  }
0xb9: {  	[tilespmem:s6+$0x50A0] =	vst v6;
	v4 =	vadd.s32 $0x1, v4;
	v6 =	vld [tilespmem:s6+$0x2920]  }
0xba: {  	[tilespmem:s6+$0x50B0] =	vst v4;
	v4 =	vadd.s32 $0x1, v5;
	v5 =	vld [tilespmem:s6+$0x2930]  }
0xbb: {  	[tilespmem:s6+$0x50C0] =	vst v4;
	v2 =	vadd.s32 $0x1, v2;
	v4 =	vld [tilespmem:s6+$0x2940]  }
0xbc: {  	[tilespmem:s6+$0x50D0] =	vst v2;
	v2 =	vadd.s32 $0x1, v10;
	v10 =	vld [tilespmem:s6+$0x2950]  }
0xbd: {  	v11 =	vld [tilespmem:s6+$0x28E0];
	[tilespmem:s6+$0x5100] =	vst v2;
	v2 =	vadd.s32 $0x1, v7  }
0xbe: {  	[tilespmem:s6+$0x5110] =	vst v2;
	v2 =	vadd.s32 $0x1, v6;
	v6 =	vld [tilespmem:s6+$0x2980]  }
0xbf: {  	[tilespmem:s6+$0x5120] =	vst v2;
	v2 =	vadd.s32 $0x1, v5;
	v5 =	vld [tilespmem:s6+$0x2990]  }
0xc0: {  	[tilespmem:s6+$0x5130] =	vst v2;
	v2 =	vadd.s32 $0x1, v4;
	v4 =	vld [tilespmem:s6+$0x29A0]  }
0xc1: {  	[tilespmem:s6+$0x5140] =	vst v2;
	v2 =	vadd.s32 $0x1, v10;
	v7 =	vld [tilespmem:s6+$0x29B0]  }
0xc2: {  	v10 =	vadd.s32 $0x1, v11;
	[tilespmem:s6+$0x5150] =	vst v2;
	v2 =	vld [tilespmem:s6+$0x29C0]  }
0xc3: {  	v3 =	vadd.s32 $0x1, v3;
	[tilespmem:s6+$0x50E0] =	vst v10;
	v6 =	vadd.s32 $0x1, v6;
	v10 =	vld [tilespmem:s6+$0x29D0]  }
0xc4: {  	[tilespmem:s6+$0x50ED] =	vst v3;
	v3 =	vadd.s32 $0x1, v5  }
0xc5: {  	[tilespmem:s6+$0x5190] =	vst v3;
	v3 =	vadd.s32 $0x1, v4  }
0xc6: {  	[tilespmem:s6+$0x51A0] =	vst v3  }
0xc7: {  	v3 =	vadd.s32 $0x1, v7;
	[tilespmem:s6+$0x5180] =	vst v6;
	v2 =	vadd.s32 $0x1, v2  }
0xc8: {  	[tilespmem:s6+$0x51B0] =	vst v3;
	v3 =	vadd.s32 $0x1, v10  }
0xc9: {  	[tilespmem:s6+$0x51D0] =	vst v3  }
0xca: {  	[tilespmem:s6+$0x51C0] =	vst v2  }
0xcb: {  	v2 =	vadd.s32 $0x1, v9  }
0xcc: {  	[tilespmem:s6+$0x5060] =	vst v2;
	v2 =	vadd.s32 $0x1, v8  }
0xcd: {  	[tilespmem:s6+$0x506D] =	vst v2  }
0xce: {  	s6 =	sshra.s32 s18, $0x2;
	_ =	swait.ge [sflag:s31], $0x1F40  }
0xcf: {  	p3 =	seq.s32 s18, $0x0;
	s12 =	sadd.s32 $0x7800, s6;
	[sflag:s31] =	ssyncset.done $0x0  }
0xd0: {  	s13 =	simm.s32 @!p3 $0x8;
	s14 =	sshra.s32 @!p3 s18, $0x2;
	[sflag:s31] =	ssyncadd.s32 $0xFFFFE0C0  }
0xd1: {  	[spmem:s3] =	stream.indirect.scatter.add.f32 [tilespmem:s23], [sflag:$0x5], $0x40, s12, s21, $0xb8;
	[tilespmem:$0x1ED40] =	vst v63  }
0xd2: {  	s12 =	sadd.s32 @!p3 $0x2980, s14;
	_ =	swait.ge @!p3 [sflag:s13], $0x1F40  }
0xd3: {  	[sflag:s13] =	ssyncset.done @!p3 $0x0  }
0xd4: {  	s14 =	simm.s32 @!p3 $0xFDC0;
	[sflag:s13] =	ssyncadd.s32 @!p3 $0xFFFFE0C0;
	s13 =	simm.s32 @!p3 $0x7D  }
0xd5: {  	[tilespmem:s14], [sflag:$0x4] =	stream.indirect.gather @!p3 [hbm4b:s1+s13], $0x40, s12, s13, $0xb8;
	[tilespmem:$0x1ED40] =	vst v63  }
0xd6: {  	_ =	swait.ge [sflag:s0], $0x1F40  }
0xd7: {  	[sflag:s0] =	ssyncset.done $0x0  }
0xd8: {  	s12 =	sadd.s32 $0x7880, s6;
	p3 =	seq.s32 s18, $0x9800;
	[sflag:s0] =	ssyncadd.s32 $0xFFFFE0C0  }
0xd9: {  	[spmem:s3] =	stream.indirect.scatter.add.f32 [tilespmem:s25], [sflag:$0x6], $0x40, s12, s21, $0xb8;
	[tilespmem:$0x1ED40] =	vst v63  }
0xda: {  	s13 =	sshra.s32 @!p3 s18, $0x2;
	s12 =	simm.s32 @!p3 $0x5  }
0xdb: {  	s14 =	sadd.s32 @!p3 $0x2A00, s13;
	s18 =	sadd.s32 @!p3 $0x2A80, s13;
	_ =	swait.ge @!p3 [sflag:s12], $0x1F40  }
0xdc: {  	s13 =	sadd.s32 @!p3 $0x2B00, s13;
	[sflag:s12] =	ssyncset.done @!p3 $0x0  }
0xdd: {  	s15 =	simm.s32 @!p3 $0xA000;
	[sflag:s12] =	ssyncadd.s32 @!p3 $0xFFFFE0C0;
	s12 =	simm.s32 @!p3 $0x7D  }
0xde: {  	[tilespmem:s15], [sflag:$0x1] =	stream.indirect.gather @!p3 [hbm4b:s1+s12], $0x40, s14, s12, $0xb8;
	[tilespmem:$0x1ED40] =	vst v63  }
0xdf: {  	_ =	swait.ge [sflag:s22], $0x1F40  }
0xe0: {  	s14 =	sadd.s32 $0x7900, s6;
	[sflag:s22] =	ssyncset.done $0x0  }
0xe1: {  	s15 =	simm.s32 @!p3 $0x6;
	[sflag:s22] =	ssyncadd.s32 $0xFFFFE0C0  }
0xe2: {  	[spmem:s3] =	stream.indirect.scatter.add.f32 [tilespmem:s28], [sflag:$0x7], $0x40, s14, s21, $0xb8;
	[tilespmem:$0x1ED40] =	vst v63  }
0xe3: {  	_ =	swait.ge @!p3 [sflag:s15], $0x1F40  }
0xe4: {  	[sflag:s15] =	ssyncset.done @!p3 $0x0  }
0xe5: {  	s14 =	simm.s32 @!p3 $0xBF40;
	[sflag:s15] =	ssyncadd.s32 @!p3 $0xFFFFE0C0  }
0xe6: {  	[tilespmem:s14], [sflag:$0x2] =	stream.indirect.gather @!p3 [hbm4b:s1+s12], $0x40, s18, s12, $0xb8;
	[tilespmem:$0x1ED40] =	vst v63  }
0xe7: {  	_ =	swait.ge [sflag:s24], $0x1F40  }
0xe8: {  	s14 =	sadd.s32 $0x7980, s6;
	[sflag:s24] =	ssyncset.done $0x0  }
0xe9: {  	s15 =	simm.s32 @!p3 $0x7;
	[sflag:s24] =	ssyncadd.s32 $0xFFFFE0C0  }
0xea: {  	[spmem:s3] =	stream.indirect.scatter.add.f32 [tilespmem:s30], [sflag:$0x8], $0x40, s14, s21, $0xb8;
	[tilespmem:$0x1ED40] =	vst v63  }
0xeb: {  	_ =	swait.ge @!p3 [sflag:s15], $0x1F40  }
0xec: {  	[sflag:s15] =	ssyncset.done @!p3 $0x0  }
0xed: {  	s14 =	simm.s32 @!p3 $0xDE80;
	[sflag:s15] =	ssyncadd.s32 @!p3 $0xFFFFE0C0  }
0xee: {  	[tilespmem:s14], [sflag:$0x3] =	stream.indirect.gather @!p3 [hbm4b:s1+s12], $0x40, s13, s12, $0xb8;
	[tilespmem:$0x1ED40] =	vst v63  }
.Ltmp4:
0xef: {  	v3 =	vld [tilespmem:s6+$0x29ED];
	(pc) =	sbr.rel @p2 .LBB2_6-.Ltmp4, $4  }
0xf0: {  	v2 =	vld [tilespmem:s6+$0x296D]  }
0xf1: {  	v5 =	vld [tilespmem:s6+$0x2960]  }
0xf2: {  	v6 =	vld [tilespmem:s6+$0x29E0]  }
0xf3: {  	v4 =	vld [tilespmem:s6+$0x2800]  }
0xf4: {  	_ = 	snop  }
0xf5: {  	v8 =	vld [tilespmem:s6+$0x2820]  }
0xf6: {  	v52 =	vld [tilespmem:s6+$0x2910]  }
0xf7: {  	v6 =	vadd.s32 $0x1, v6  }
0xf8: {  	v7 =	vld [tilespmem:s6+$0x2810];
	v3 =	vadd.s32 $0x1, v3;
	[tilespmem:s6+$0x51E0] =	vst v6  }
0xf9: {  	[tilespmem:s6+$0x51ED] =	vst v3;
	v3 =	vadd.s32 $0x1, v5  }
0xfa: {  	v44 =	vld [tilespmem:s6+$0x2850];
	v8 =	vadd.s32 $0x1, v8;
	[tilespmem:s6+$0x5160] =	vst v3  }
0xfb: {  	v10 =	vld [tilespmem:s6+$0x2830];
	v56 =	vadd.s32 $0x1, v52;
	[tilespmem:s6+$0x5020] =	vst v8  }
0xfc: {  	v2 =	vadd.s32 $0x1, v2;
	v3 =	vld [tilespmem:s6+$0x2880];
	[tilespmem:s6+$0x5110] =	vst v56  }
0xfd: {  	v11 =	vld [tilespmem:s6+$0x2840];
	[tilespmem:s6+$0x516D] =	vst v2;
	v2 =	vadd.s32 $0x1, v7  }
0xfe: {  	v47 =	vld [tilespmem:s6+$0x2890];
	[tilespmem:s6+$0x5010] =	vst v2;
	v2 =	vadd.s32 $0x1, v4  }
0xff: {  	v48 =	vld [tilespmem:s6+$0x28A0];
	[tilespmem:s6+$0x5000] =	vst v2;
	v2 =	vadd.s32 $0x1, v44  }
0x100: {  	v49 =	vld [tilespmem:s6+$0x28B0];
	[tilespmem:s6+$0x5050] =	vst v2;
	v2 =	vadd.s32 $0x1, v10  }
0x101: {  	[tilespmem:s6+$0x5030] =	vst v2;
	v2 =	vadd.s32 $0x1, v3;
	v3 =	vld [tilespmem:s6+$0x28C0]  }
0x102: {  	v50 =	vld [tilespmem:s6+$0x28D0];
	[tilespmem:s6+$0x5080] =	vst v2;
	v2 =	vadd.s32 $0x1, v11  }
0x103: {  	v53 =	vld [tilespmem:s6+$0x2920];
	[tilespmem:s6+$0x5040] =	vst v2;
	v2 =	vadd.s32 $0x1, v47  }
0x104: {  	v58 =	vld [tilespmem:s6+$0x2980];
	[tilespmem:s6+$0x5090] =	vst v2;
	v2 =	vadd.s32 $0x1, v48  }
0x105: {  	v51 =	vld [tilespmem:s6+$0x2900];
	[tilespmem:s6+$0x50A0] =	vst v2;
	v2 =	vadd.s32 $0x1, v49  }
0x106: {  	[tilespmem:s6+$0x50B0] =	vst v2;
	v2 =	vadd.s32 $0x1, v3;
	v3 =	vld [tilespmem:s6+$0x2930]  }
0x107: {  	v54 =	vld [tilespmem:s6+$0x2940];
	[tilespmem:s6+$0x50C0] =	vst v2;
	v2 =	vadd.s32 $0x1, v50  }
0x108: {  	v57 =	vadd.s32 $0x1, v53;
	[tilespmem:s6+$0x50D0] =	vst v2;
	v2 =	vld [tilespmem:s6+$0x2950]  }
0x109: {  	v55 =	vld [tilespmem:s6+$0x28E0];
	v63 =	vadd.s32 $0x1, v58;
	[tilespmem:s6+$0x5120] =	vst v57  }
0x10a: {  	v46 =	vld [tilespmem:s6+$0x28ED];
	[tilespmem:s6+$0x5180] =	vst v63;
	v4 =	vadd.s32 $0x1, v51  }
0x10b: {  	v59 =	vld [tilespmem:s6+$0x2990];
	[tilespmem:s6+$0x5100] =	vst v4;
	v3 =	vadd.s32 $0x1, v3  }
0x10c: {  	v60 =	vld [tilespmem:s6+$0x29A0];
	[tilespmem:s6+$0x5130] =	vst v3;
	v3 =	vadd.s32 $0x1, v54  }
0x10d: {  	[tilespmem:s6+$0x5140] =	vst v3;
	v2 =	vadd.s32 $0x1, v2;
	v3 =	vld [tilespmem:s6+$0x29B0]  }
0x10e: {  	v61 =	vld [tilespmem:s6+$0x29C0];
	[tilespmem:s6+$0x5150] =	vst v2;
	v2 =	vadd.s32 $0x1, v55  }
0x10f: {  	v62 =	vld [tilespmem:s6+$0x29D0];
	[tilespmem:s6+$0x50E0] =	vst v2;
	v2 =	vadd.s32 $0x1, v46  }
0x110: {  	v9 =	vld [tilespmem:s6+$0x2860];
	[tilespmem:s6+$0x50ED] =	vst v2;
	v2 =	vadd.s32 $0x1, v59  }
0x111: {  	v45 =	vld [tilespmem:s6+$0x286D];
	[tilespmem:s6+$0x5190] =	vst v2;
	v2 =	vadd.s32 $0x1, v60  }
0x112: {  	[tilespmem:s6+$0x51A0] =	vst v2;
	v2 =	vadd.s32 $0x1, v3  }
0x113: {  	v3 =	vadd.s32 $0x1, v61;
	[tilespmem:s6+$0x51B0] =	vst v2  }
0x114: {  	v2 =	vadd.s32 $0x1, v62;
	[tilespmem:s6+$0x51C0] =	vst v3  }
0x115: {  	[tilespmem:s6+$0x51D0] =	vst v2;
	v2 =	vadd.s32 $0x1, v9  }
0x116: {  	[tilespmem:s6+$0x5060] =	vst v2;
	v2 =	vadd.s32 $0x1, v45  }
0x117: {  	[tilespmem:s6+$0x506D] =	vst v2  }
0x118: {  	_ =	swait.ge [sflag:s26], $0x1F40  }
0x119: {  	[sflag:s26] =	ssyncset.done $0x0  }
0x11a: {  	[sflag:s26] =	ssyncadd.s32 $0xFFFFE0C0  }
0x11b: {  	_ =	swait.ge [sflag:s29], $0x1F40  }
0x11c: {  	[sflag:s29] =	ssyncset.done $0x0  }
0x11d: {  	[sflag:s29] =	ssyncadd.s32 $0xFFFFE0C0  }
0x11e: {  	_ =	swait.ge [sflag:s2], $0x1F40  }
0x11f: {  	[sflag:s2] =	ssyncset.done $0x0  }
0x120: {  	[sflag:s2] =	ssyncadd.s32 $0xFFFFE0C0  }
0x121: {  	_ =	swait.ge [sflag:s4], $0x1F40  }
0x122: {  	[sflag:s4] =	ssyncset.done $0x0  }
0x123: {  	[sflag:s4] =	ssyncadd.s32 $0xFFFFE0C0  }
0x124: {  	[bflag:$0x0] =	sbarrier.arrive $0xFFFF  }
0x125: {  	s6 =	rddreg [dreg:$0x8]  }
0x126: {  	s11 =	simm.s32 @p1 $0x1FCA;
	s12 =	rddreg [dreg:$0x7];
	s6 =	sshrl.u32 @p1 s6, $0x3  }
0x127: {  	[hbm:s12], [sflag:s11] =	dma.local @p1 [spmem:s6], $0x1400  }
0x128: {  	s11 =	simm.s32 @p1 $0xA  }
0x129: {  	_ =	swait.ge @p1 [sflag:s11], $0x1400  }
0x12a: {  	[sflag:s11] =	ssyncset.done @p1 $0x0  }
0x12b: {  	[sflag:s11] =	ssyncadd.s32 @p1 $0xFFFFEC00;
	s11 =	simm.s32 @p1 $0x11D00  }
0x12c: {  	[spmem:s7] =	stream.linear.scatter @p1 [tilespmem:s11], [sflag:$0x9], $0x3400, $0x38;
	[tilespmem:$0x1ED40] =	vst v63  }
0x12d: {  	_ = 	snop  }
0x12e: {  	[spmem:s8] =	stream.linear.scatter @p1 [tilespmem:s11], [sflag:$0x9], $0x3400, $0x38;
	[tilespmem:$0x1ED40] =	vst v63  }
0x12f: {  	_ = 	snop  }
0x130: {  	[spmem:s9] =	stream.linear.scatter @p1 [tilespmem:s11], [sflag:$0x9], $0x3400, $0x38;
	[tilespmem:$0x1ED40] =	vst v63  }
0x131: {  	_ = 	snop  }
0x132: {  	[spmem:s10] =	stream.linear.scatter @p1 [tilespmem:s11], [sflag:$0x9], $0x400, $0x38;
	[tilespmem:$0x1ED40] =	vst v63  }
0x133: {  	s11 =	simm.s32 @p1 $0x9  }
0x134: {  	s12 =	stileid.u32;
	_ =	swait.ge @p1 [sflag:s11], $0x400  }
0x135: {  	s18 =	sshrl.u32 @!p1 s7, $0x3;
	s12 =	sshll.u32 @!p1 s12, $0x6;
	[sflag:s11] =	ssyncset.done @p1 $0x0  }
0x136: {  	[sflag:s11] =	ssyncadd.s32 @p1 $0xFFFFFC00;
	s11 =	sor.u32 @!p1 $0x1C0A, s12;
	s12 =	rddreg [dreg:$0x6]  }
0x137: {  	[hbm:s12], [sflag:s11] =	dma.local @!p1 [spmem:s18], $0x1380  }
0x138: {  	s12 =	simm.s32 @!p1 $0xA  }
0x139: {  	_ =	swait.ge @!p1 [sflag:s12], $0x1380  }
0x13a: {  	[sflag:s12] =	ssyncset.done @!p1 $0x0  }
0x13b: {  	[sflag:s12] =	ssyncadd.s32 @!p1 $0xFFFFEC80;
	s12 =	simm.s32 @!p1 $0x11D00  }
0x13c: {  	[spmem:s7] =	stream.linear.scatter @!p1 [tilespmem:s12], [sflag:$0x9], $0x3400, $0x38;
	[tilespmem:$0x1ED40] =	vst v63  }
0x13d: {  	_ = 	snop  }
0x13e: {  	[spmem:s8] =	stream.linear.scatter @!p1 [tilespmem:s12], [sflag:$0x9], $0x3400, $0x38;
	[tilespmem:$0x1ED40] =	vst v63  }
0x13f: {  	_ = 	snop  }
0x140: {  	[spmem:s9] =	stream.linear.scatter @!p1 [tilespmem:s12], [sflag:$0x9], $0x3400, $0x38;
	[tilespmem:$0x1ED40] =	vst v63  }
0x141: {  	_ =	swait.ge [sflag:s20], $0x3400  }
0x142: {  	[sflag:s20] =	ssyncset.done $0x0  }
0x143: {  	[sflag:s20] =	ssyncadd.s32 $0xFFFFCC00  }
0x144: {  	_ =	swait.ge [sflag:s20], $0x3400  }
0x145: {  	[sflag:s20] =	ssyncset.done $0x0  }
0x146: {  	[sflag:s20] =	ssyncadd.s32 $0xFFFFCC00  }
0x147: {  	_ =	swait.ge [sflag:s20], $0x3400  }
0x148: {  	[sflag:s20] =	ssyncset.done $0x0  }
0x149: {  	[sflag:s20] =	ssyncadd.s32 $0xFFFFCC00  }
0x14a: {  	s19 =	simm.s32 $0x5000;
	[bflag:$0x0] =	sbarrier.arrive $0xFFFF  }
0x14b: {  	[tilespmem:s23], [sflag:$0x1] =	stream.indirect.gather [hbm4b:s1+s21], $0x40, s19, s21, $0xb8;
	[tilespmem:$0x1ED40] =	vst v63  }
0x14c: {  	s13 =	simm.s32 $0x5080  }
0x14d: {  	[tilespmem:s25], [sflag:$0x2] =	stream.indirect.gather [hbm4b:s1+s21], $0x40, s13, s21, $0xb8;
	[tilespmem:$0x1ED40] =	vst v63  }
0x14e: {  	s14 =	simm.s32 $0x5100  }
0x14f: {  	[tilespmem:s28], [sflag:$0x3] =	stream.indirect.gather [hbm4b:s1+s21], $0x40, s14, s21, $0xb8;
	[tilespmem:$0x1ED40] =	vst v63  }
0x150: {  	s15 =	simm.s32 $0x5180  }
0x151: {  	[tilespmem:s30], [sflag:$0x4] =	stream.indirect.gather [hbm4b:s1+s21], $0x40, s15, s21, $0xb8;
	[tilespmem:$0x1ED40] =	vst v63  }
0x152: {  	_ =	swait.ge [sflag:s31], $0x1F40  }
0x153: {  	[sflag:s31] =	ssyncset.done $0x0  }
0x154: {  	[sflag:s31] =	ssyncadd.s32 $0xFFFFE0C0  }
0x155: {  	[spmem:s3] =	stream.indirect.scatter.add.f32 [tilespmem:s23], [sflag:$0x5], $0x40, s16, s21, $0xb8;
	[tilespmem:$0x1ED40] =	vst v63  }
0x156: {  	_ =	swait.ge [sflag:s0], $0x1F40  }
0x157: {  	[sflag:s0] =	ssyncset.done $0x0  }
0x158: {  	s19 =	simm.s32 $0x7880;
	[sflag:s0] =	ssyncadd.s32 $0xFFFFE0C0  }
0x159: {  	[spmem:s3] =	stream.indirect.scatter.add.f32 [tilespmem:s25], [sflag:$0x6], $0x40, s19, s21, $0xb8;
	[tilespmem:$0x1ED40] =	vst v63  }
0x15a: {  	_ =	swait.ge [sflag:s26], $0x1F40  }
0x15b: {  	[sflag:s26] =	ssyncset.done $0x0  }
0x15c: {  	s13 =	simm.s32 $0x5200;
	[sflag:s26] =	ssyncadd.s32 $0xFFFFE0C0  }
0x15d: {  	[tilespmem:s23], [sflag:$0x1] =	stream.indirect.gather [hbm4b:s1+s21], $0x40, s13, s21, $0xb8;
	[tilespmem:$0x1ED40] =	vst v63  }
0x15e: {  	_ =	swait.ge [sflag:s22], $0x1F40  }
0x15f: {  	[sflag:s22] =	ssyncset.done $0x0  }
0x160: {  	s14 =	simm.s32 $0x7900;
	[sflag:s22] =	ssyncadd.s32 $0xFFFFE0C0  }
0x161: {  	[spmem:s3] =	stream.indirect.scatter.add.f32 [tilespmem:s28], [sflag:$0x7], $0x40, s14, s21, $0xb8;
	[tilespmem:$0x1ED40] =	vst v63  }
0x162: {  	_ =	swait.ge [sflag:s29], $0x1F40  }
0x163: {  	[sflag:s29] =	ssyncset.done $0x0  }
0x164: {  	s15 =	simm.s32 $0x5280;
	[sflag:s29] =	ssyncadd.s32 $0xFFFFE0C0  }
0x165: {  	[tilespmem:s25], [sflag:$0x2] =	stream.indirect.gather [hbm4b:s1+s21], $0x40, s15, s21, $0xb8;
	[tilespmem:$0x1ED40] =	vst v63  }
0x166: {  	_ =	swait.ge [sflag:s24], $0x1F40  }
0x167: {  	[sflag:s24] =	ssyncset.done $0x0  }
0x168: {  	s16 =	simm.s32 $0x7980;
	[sflag:s24] =	ssyncadd.s32 $0xFFFFE0C0  }
0x169: {  	[spmem:s3] =	stream.indirect.scatter.add.f32 [tilespmem:s30], [sflag:$0x8], $0x40, s16, s21, $0xb8;
	[tilespmem:$0x1ED40] =	vst v63  }
0x16a: {  	_ =	swait.ge [sflag:s2], $0x1F40  }
0x16b: {  	[sflag:s2] =	ssyncset.done $0x0  }
0x16c: {  	s12 =	simm.s32 $0x0;
	s19 =	simm.s32 $0x5300;
	[sflag:s2] =	ssyncadd.s32 $0xFFFFE0C0  }
0x16d: {  	[tilespmem:s28], [sflag:$0x3] =	stream.indirect.gather [hbm4b:s1+s21], $0x40, s19, s21, $0xb8;
	[tilespmem:$0x1ED40] =	vst v63  }
.LBB2_8:
0x16e: {  	_ =	swait.ge [sflag:s31], $0x1F40  }
0x16f: {  	s13 =	sshra.s32 s12, $0x2;
	[sflag:s31] =	ssyncset.done $0x0  }
0x170: {  	s14 =	sadd.s32 $0x7A00, s13;
	[sflag:s31] =	ssyncadd.s32 $0xFFFFE0C0  }
0x171: {  	[spmem:s3] =	stream.indirect.scatter.add.f32 [tilespmem:s23], [sflag:$0x5], $0x40, s14, s21, $0xb8;
	[tilespmem:$0x1ED40] =	vst v63  }
0x172: {  	_ =	swait.ge [sflag:s4], $0x1F40  }
0x173: {  	[sflag:s4] =	ssyncset.done $0x0  }
0x174: {  	s15 =	sadd.s32 $0x5380, s13;
	[sflag:s4] =	ssyncadd.s32 $0xFFFFE0C0  }
0x175: {  	[tilespmem:s30], [sflag:$0x4] =	stream.indirect.gather [hbm4b:s1+s21], $0x40, s15, s21, $0xb8;
	[tilespmem:$0x1ED40] =	vst v63  }
0x176: {  	_ =	swait.ge [sflag:s0], $0x1F40  }
0x177: {  	p2 =	seq.s32 s12, $0x9000;
	[sflag:s0] =	ssyncset.done $0x0  }
0x178: {  	s16 =	sadd.s32 $0x7A80, s13;
	s14 =	simm.s32 @p2 $0x3;
	[sflag:s0] =	ssyncadd.s32 $0xFFFFE0C0  }
0x179: {  	[spmem:s3] =	stream.indirect.scatter.add.f32 [tilespmem:s25], [sflag:$0x6], $0x40, s16, s21, $0xb8;
	[tilespmem:$0x1ED40] =	vst v63  }
0x17a: {  	_ =	swait.ge @p2 [sflag:s14], $0x1F40  }
0x17b: {  	[sflag:s14] =	ssyncset.done @p2 $0x0  }
0x17c: {  	[sflag:s14] =	ssyncadd.s32 @p2 $0xFFFFE0C0;
	s14 =	sshra.s32 @p2 s12, $0x2  }
0x17d: {  	s15 =	simm.s32 @p2 $0x7D;
	s16 =	simm.s32 @p2 $0xDE80;
	s14 =	sadd.s32 @p2 $0x7B00, s14  }
0x17e: {  	[spmem:s3] =	stream.indirect.scatter.add.f32 @p2 [tilespmem:s16], [sflag:$0x7], $0x40, s14, s15, $0xb8;
	[tilespmem:$0x1ED40] =	vst v63  }
0x17f: {  	s14 =	simm.s32 @!p2 $0x5  }
0x180: {  	_ =	swait.ge @!p2 [sflag:s14], $0x1F40  }
0x181: {  	[sflag:s14] =	ssyncset.done @!p2 $0x0  }
0x182: {  	[sflag:s14] =	ssyncadd.s32 @!p2 $0xFFFFE0C0;
	s14 =	sshra.s32 @!p2 s12, $0x2  }
0x183: {  	s19 =	simm.s32 @!p2 $0xA000;
	s16 =	simm.s32 @!p2 $0x7D;
	s15 =	sadd.s32 @!p2 $0x5400, s14  }
0x184: {  	[tilespmem:s19], [sflag:$0x1] =	stream.indirect.gather @!p2 [hbm4b:s1+s16], $0x40, s15, s16, $0xb8;
	[tilespmem:$0x1ED40] =	vst v63  }
0x185: {  	s15 =	simm.s32 @!p2 $0x3  }
0x186: {  	_ =	swait.ge @!p2 [sflag:s15], $0x1F40  }
0x187: {  	[sflag:s15] =	ssyncset.done @!p2 $0x0  }
0x188: {  	s19 =	simm.s32 @!p2 $0xDE80;
	[sflag:s15] =	ssyncadd.s32 @!p2 $0xFFFFE0C0;
	s15 =	sadd.s32 @!p2 $0x7B00, s14  }
0x189: {  	[spmem:s3] =	stream.indirect.scatter.add.f32 @!p2 [tilespmem:s19], [sflag:$0x7], $0x40, s15, s16, $0xb8;
	[tilespmem:$0x1ED40] =	vst v63  }
0x18a: {  	s15 =	simm.s32 @!p2 $0x6  }
0x18b: {  	_ =	swait.ge @!p2 [sflag:s15], $0x1F40  }
0x18c: {  	[sflag:s15] =	ssyncset.done @!p2 $0x0  }
0x18d: {  	s14 =	sadd.s32 @!p2 $0x5480, s14;
	[sflag:s15] =	ssyncadd.s32 @!p2 $0xFFFFE0C0;
	s15 =	simm.s32 @!p2 $0xBF40  }
0x18e: {  	[tilespmem:s15], [sflag:$0x2] =	stream.indirect.gather @!p2 [hbm4b:s1+s16], $0x40, s14, s16, $0xb8;
	[tilespmem:$0x1ED40] =	vst v63  }
.Ltmp5:
0x18f: {  	_ = 	snop;
	(pc) =	sbr.rel @p2 .LBB2_10-.Ltmp5, $4  }
0x190: {  	_ =	swait.ge [sflag:s24], $0x1F40  }
0x191: {  	[sflag:s24] =	ssyncset.done $0x0  }
0x192: {  	s19 =	sadd.s32 $0x7B80, s13;
	[sflag:s24] =	ssyncadd.s32 $0xFFFFE0C0  }
0x193: {  	[spmem:s3] =	stream.indirect.scatter.add.f32 [tilespmem:s30], [sflag:$0x8], $0x40, s19, s21, $0xb8;
	[tilespmem:$0x1ED40] =	vst v63  }
.Ltmp6:
0x194: {  	(pc) =	sbr.rel .LBB2_8-.Ltmp6, $4  }
0x195: {  	_ =	swait.ge [sflag:s2], $0x1F40  }
0x196: {  	[sflag:s2] =	ssyncset.done $0x0  }
0x197: {  	s13 =	sadd.s32 $0x5500, s13;
	s12 =	sadd.s32 $0x800, s12;
	[sflag:s2] =	ssyncadd.s32 $0xFFFFE0C0  }
0x198: {  	[tilespmem:s28], [sflag:$0x3] =	stream.indirect.gather [hbm4b:s1+s21], $0x40, s13, s21, $0xb8;
	[tilespmem:$0x1ED40] =	vst v63  }
.LBB2_11:
0x199: {  	_ =	sfence.sel $0x180000  }
0x19a: {  	[bflag:$0x0] =	sbarrier.arrive $0xFFFF  }
0x19b: {  	_ =	strace $0x90000047  }
0x19c: {  	s0 =	stileid.u32;
	[bflag:$0x2] =	sbarrier.arrive $0xFFFF  }
0x19d: {  	p0 =	sne.s32 s0, $0x0;
	s0 =	rddreg [dreg:$0x3]  }
0x19e: {  	s0 =	sadd.s32 @!p0 $0x100000, s0  }
0x19f: {  	[sflag:s0] =	ssyncadd.tile.s32 @!p0 $0x1;
	_ =	shalt  }
.Lfunc_end2:
_tile_overlayer_lowered:
.L_overlay_start_2:
0x1a0: {  	(tag) =	ssettag $0x2  }
0x1a1: {  	s0 =	rddreg [dreg:$0x0];
	s2 =	stileid.u32  }
0x1a2: {  	s1 =	rddreg [dreg:$0x1];
	p0 =	sne.s32 s2, $0x0  }
0x1a3: {  	s3 =	rddreg [dreg:$0x2];
	[bflag:$0x3] =	sbarrier.arrive $0xFFFF;
	s2 =	simm.s32 @!p0 $0x1C0A  }
0x1a4: {  	[timem:s3], [sflag:s2] =	dma.local @!p0 [hbm:s0], s1  }
0x1a5: {  	s0 =	simm.s32 @!p0 $0xA  }
0x1a6: {  	_ =	swait.ge @!p0 [sflag:s0], s1  }
0x1a7: {  	s1 =	ssub.s32 @!p0 $0x0, s1;
	[sflag:s0] =	ssyncset.done @!p0 $0x0  }
0x1a8: {  	[sflag:s0] =	ssyncadd.s32 @!p0 s1  }
0x1a9: {  	[bflag:$0x3] =	sbarrier.arrive $0xFFFF  }
0x1aa: {  	_ =	shalt  }

</sc_bundles>
